<compile_context>
chip_gen: v7x
topology: tpu7x:2x2x1
jax: 0.10.2.dev20260603
libtpu: 0.0.44.dev20260713+nightly
codegen_flags: <defaults>
</compile_context>

<pallas_src>
import jax
import jax.numpy as jnp
from jax import lax
from jax.experimental import pallas as pl
from jax.experimental.pallas import tpu as pltpu
from jax.experimental.pallas import tpu_sc as plsc

_B, _C, _N, _K = 2, 256, 2048, 16
_G = 4
_LC, _NLC = 192, 64
_GC = _LC // _G
_NGC = _NLC // _G
_NT = 256
_NBLK = _N // _NT

_SC_PARTS = 4
_CHUNK = _N * _K // _SC_PARTS


def _local_body(x_ref, absx_ref, wq_ref, wk_ref, wv_ref,
                wqn_ref, wkn_ref, wvn_ref,
                outl_ref, probs_ref, qnl_ref, knl_ref, vnl_ref):
    xb = x_ref[0]
    q = jnp.dot(wq_ref[...], xb, preferred_element_type=jnp.float32)
    k = jnp.dot(wk_ref[...], xb, preferred_element_type=jnp.float32)
    v = jnp.dot(wv_ref[...], xb, preferred_element_type=jnp.float32)
    s = (q * k).reshape(_G, _GC, _NT * _K).sum(axis=1)
    s3 = s.reshape(_G, _NT, _K)
    m = s3.max(axis=-1, keepdims=True)
    e = jnp.exp(s3 - m)
    p3 = e / e.sum(axis=-1, keepdims=True)
    probs_ref[0] = p3.reshape(_G, _NT * _K)
    p = p3.reshape(_G, _NT * _K)
    pb = jnp.broadcast_to(p[:, None, :], (_G, _GC, _NT * _K)).reshape(
        _LC, _NT * _K)
    sv = pb * v
    jj = lax.broadcasted_iota(jnp.int32, (_NT * _K, _NT), 0) // _K
    nn = lax.broadcasted_iota(jnp.int32, (_NT * _K, _NT), 1)
    seg = (jj == nn).astype(jnp.float32)
    outl_ref[0] = jnp.dot(sv, seg, preferred_element_type=jnp.float32)
    ab = absx_ref[0]
    qnl_ref[0] = jnp.dot(wqn_ref[...], ab, preferred_element_type=jnp.float32)
    knl_ref[0] = jnp.dot(wkn_ref[...], ab, preferred_element_type=jnp.float32)
    vnl_ref[0] = jnp.dot(wvn_ref[...], ab, preferred_element_type=jnp.float32)


def _local_call(x2, ab2, wq, wk, wv, wqn, wkn, wvn):
    wspec = pl.BlockSpec((_LC, _C), lambda b, j: (0, 0))
    wnspec = pl.BlockSpec((_NLC, _C // 2), lambda b, j: (0, 0))
    return pl.pallas_call(
        _local_body,
        grid=(_B, _NBLK),
        in_specs=[
            pl.BlockSpec((1, _C, _NT * _K), lambda b, j: (b, 0, j)),
            pl.BlockSpec((1, _C // 2, _NT), lambda b, j: (b, 0, j)),
            wspec, wspec, wspec, wnspec, wnspec, wnspec,
        ],
        out_specs=[
            pl.BlockSpec((1, _LC, _NT), lambda b, j: (b, 0, j)),
            pl.BlockSpec((1, _G, _NT * _K), lambda b, j: (b, 0, j)),
            pl.BlockSpec((1, _NLC, _NT), lambda b, j: (b, 0, j)),
            pl.BlockSpec((1, _NLC, _NT), lambda b, j: (b, 0, j)),
            pl.BlockSpec((1, _NLC, _NT), lambda b, j: (b, 0, j)),
        ],
        out_shape=[
            jax.ShapeDtypeStruct((_B, _LC, _N), jnp.float32),
            jax.ShapeDtypeStruct((_B, _G, _N * _K), jnp.float32),
            jax.ShapeDtypeStruct((_B, _NLC, _N), jnp.float32),
            jax.ShapeDtypeStruct((_B, _NLC, _N), jnp.float32),
            jax.ShapeDtypeStruct((_B, _NLC, _N), jnp.float32),
        ],
    )(x2, ab2, wq, wk, wv, wqn, wkn, wvn)


def _sc_scatter_body(key_hbm, val_hbm, out_hbm, key_v, val_v, hist_v):
    c = lax.axis_index("c")
    s = lax.axis_index("s")
    w = s * 2 + c
    pltpu.sync_copy(key_hbm.at[pl.ds(w * _CHUNK, _CHUNK + 16)], key_v)
    pltpu.sync_copy(val_hbm.at[pl.ds(w * _CHUNK, _CHUNK)], val_v)

    def zero_body(i, carry):
        hist_v[pl.ds(i * 16, 16)] = jnp.zeros((16,), jnp.float32)
        return carry

    lax.fori_loop(0, _N // 16, zero_body, 0)

    def body(i, carry):
        k0 = key_v[pl.ds(i * 16, 16)]
        k1 = key_v[pl.ds(i * 16 + 1, 16)]
        vv = val_v[pl.ds(i * 16, 16)]
        keep = k0 != k1
        m = k0 & (_N - 1)
        plsc.addupdate_scatter(hist_v, [m], jnp.where(keep, vv, 0.0))
        return carry

    lax.fori_loop(0, _CHUNK // 16, body, 0)
    pltpu.sync_copy(hist_v, out_hbm.at[pl.ds(w * _N, _N)])


def _sc_scatter_call(key_ext, val_sorted):
    mesh = plsc.VectorSubcoreMesh(core_axis_name="c", subcore_axis_name="s")
    return pl.kernel(
        _sc_scatter_body,
        out_type=jax.ShapeDtypeStruct((32 * _N,), jnp.float32),
        mesh=mesh,
        scratch_types=[
            pltpu.VMEM((_CHUNK + 16,), jnp.int32),
            pltpu.VMEM((_CHUNK,), jnp.float32),
            pltpu.VMEM((_N,), jnp.float32),
        ],
        compiler_params=pltpu.CompilerParams(needs_layout_passes=False),
    )(key_ext, val_sorted)


def _nl_body(hist_ref, qnl_ref, knl_ref, vnl_ref, out_ref):
    score = hist_ref[...].sum(axis=1)
    il = lax.broadcasted_iota(jnp.int32, (_B * _G, _N), 1)
    vals, idxs = [], []
    sc = score
    for _ in range(_K):
        m = sc.max(axis=-1, keepdims=True)
        eq = sc == m
        first = jnp.min(jnp.where(eq, il, _N), axis=-1, keepdims=True)
        vals.append(m)
        idxs.append(first)
        sc = jnp.where(il == first, -jnp.inf, sc)
    val_sc = jnp.concatenate(vals, axis=1)
    idx_sc = jnp.concatenate(idxs, axis=1)
    tanh_val = jnp.tanh(val_sc)
    for b in range(_B):
        for g in range(_G):
            bg = b * _G + g
            oh = (jnp.broadcast_to(idx_sc[bg][:, None], (_K, _N)) ==
                  lax.broadcasted_iota(jnp.int32, (_K, _N), 1)
                  ).astype(jnp.float32)
            qb = qnl_ref[b, g * _NGC:(g + 1) * _NGC, :]
            kb = knl_ref[b, g * _NGC:(g + 1) * _NGC, :]
            vb = vnl_ref[b, g * _NGC:(g + 1) * _NGC, :]
            k_g = lax.dot_general(oh, kb, (((1,), (1,)), ((), ())),
                                  preferred_element_type=jnp.float32)
            v_g = lax.dot_general(oh, vb, (((1,), (1,)), ((), ())),
                                  preferred_element_type=jnp.float32)
            v_g = v_g * jnp.broadcast_to(tanh_val[bg][:, None], (_K, _NGC))
            at = lax.dot_general(k_g, qb, (((1,), (0,)), ((), ())),
                                 preferred_element_type=jnp.float32)
            mm = at.max(axis=0, keepdims=True)
            ee = jnp.exp(at - mm)
            sm = ee / ee.sum(axis=0, keepdims=True)
            out_ref[b, g * _NGC:(g + 1) * _NGC, :] = lax.dot_general(
                v_g, sm, (((0,), (0,)), ((), ())),
                preferred_element_type=jnp.float32)


def _nl_call(hist, qnl, knl, vnl):
    return pl.pallas_call(
        _nl_body,
        out_shape=jax.ShapeDtypeStruct((_B, _NLC, _N), jnp.float32),
    )(hist, qnl, knl, vnl)


def kernel(x, abs_x, idx, Wq, Wk, Wv, Wq_nl, Wk_nl, Wv_nl):
    x2 = x.reshape(_B, _C, _N * _K)
    ab2 = abs_x.reshape(_B, _C // 2, _N)
    out_l, probs, qnl, knl, vnl = _local_call(
        x2, ab2, Wq, Wk, Wv, Wq_nl, Wk_nl, Wv_nl)
    bgi = jnp.arange(_B * _G, dtype=jnp.int32)[:, None, None]
    ni = jnp.arange(_N, dtype=jnp.int32)[None, :, None]
    idx_bg = jnp.broadcast_to(
        idx, (_B, _G, _N, _K)).reshape(_B * _G, _N, _K)
    keys = ((bgi * _N + ni) * _N + idx_bg).reshape(-1)
    ks, vs = lax.sort([keys, probs.reshape(-1)], dimension=0, num_keys=1,
                      is_stable=False)
    key_ext = jnp.concatenate([ks, jnp.full((16,), -1, jnp.int32)])
    hist = _sc_scatter_call(key_ext, vs)
    out_all = _nl_call(hist.reshape(_B * _G, _SC_PARTS, _N), qnl, knl, vnl)
    return jnp.concatenate(
        [out_l.reshape(_B, _LC, _N, 1), out_all.reshape(_B, _NLC, _N, 1)],
        axis=1)

# --- scband reference (transcript-rebuilt; emitter-appended) ---
"""Pipeline reference for scband-attention-conv-8658654069070 (READ-ONLY COPY).

The authoritative reference and input builder live on the scoring server;
editing this copy changes nothing except your own understanding.
"""

import jax, jax.numpy as jnp
import numpy as np

B, C, N, K = 2, 256, 2048, 16
G = 4
LC, NLC = 192, 64  # l_channels, nl_channels (nl_ratio=0.25 of out_channels=256)


def setup_inputs(seed: int = 0) -> dict:
    key = jax.random.key(seed)
    ks = jax.random.split(key, 9)
    x = jax.random.normal(ks[0], (B, C, N, K), dtype=jnp.float32)
    abs_x = jax.random.normal(ks[1], (B, C // 2, N, 1), dtype=jnp.float32)
    idx = jax.random.randint(ks[2], (B, 1, N, K), 0, N, dtype=jnp.int32)
    Wq = jax.random.normal(ks[3], (LC, C), dtype=jnp.float32) * 0.05
    Wk = jax.random.normal(ks[4], (LC, C), dtype=jnp.float32) * 0.05
    Wv = jax.random.normal(ks[5], (LC, C), dtype=jnp.float32) * 0.05
    Wq_nl = jax.random.normal(ks[6], (NLC, C // 2), dtype=jnp.float32) * 0.05
    Wk_nl = jax.random.normal(ks[7], (NLC, C // 2), dtype=jnp.float32) * 0.05
    Wv_nl = jax.random.normal(ks[8], (NLC, C // 2), dtype=jnp.float32) * 0.05
    return {"x": x, "abs_x": abs_x, "idx": idx, "Wq": Wq, "Wk": Wk, "Wv": Wv,
            "Wq_nl": Wq_nl, "Wk_nl": Wk_nl, "Wv_nl": Wv_nl}


def _conv1x1(W, t):
    # t: [B, Cin, H, W2]; W: [Cout, Cin] -> [B, Cout, H, W2]
    return jnp.einsum('oc,bchw->bohw', W, t)


def reference(x, abs_x, idx, Wq, Wk, Wv, Wq_nl, Wk_nl, Wv_nl):
    batch, channels, npoints, neighbors = x.shape
    # 1. Local operation
    q_out = _conv1x1(Wq, x).reshape(batch, G, LC // G, npoints, neighbors)
    k_out = _conv1x1(Wk, x).reshape(batch, G, LC // G, npoints, neighbors)
    v_out = _conv1x1(Wv, x).reshape(batch, G, LC // G, npoints, neighbors)
    out = (q_out * k_out).sum(axis=2)              # [B,G,N,K]
    out = jax.nn.softmax(out, axis=-1)
    # 1.6 scatter attention scores into dense [B,G,N,N] then column-sum + topk
    idx_rep = jnp.broadcast_to(idx, (batch, G, npoints, neighbors))
    bi = jnp.arange(batch)[:, None, None, None]
    gi = jnp.arange(G)[None, :, None, None]
    ni = jnp.arange(npoints)[None, None, :, None]
    dense = jnp.zeros((batch, G, npoints, npoints), x.dtype).at[bi, gi, ni, idx_rep].set(out)
    score = dense.sum(axis=2, keepdims=True)       # [B,G,1,N]
    val_score, idx_score = jax.lax.top_k(score, neighbors)  # [B,G,1,K]
    # 1.7 scale V
    out_l = (out[:, :, None, :, :] * v_out).sum(axis=-1)    # [B,G,LC//G,N]
    out_l = out_l.reshape(batch, LC, npoints, 1)
    # 2. Non-local MHA over selected nodes
    q_nl = _conv1x1(Wq_nl, abs_x).reshape(batch, G, NLC // G, npoints)
    k_nl = _conv1x1(Wk_nl, abs_x).reshape(batch, G, NLC // G, npoints)
    v_nl = _conv1x1(Wv_nl, abs_x).reshape(batch, G, NLC // G, npoints)
    idx2 = jnp.broadcast_to(idx_score, (batch, G, NLC // G, neighbors))
    val2 = jnp.broadcast_to(val_score, (batch, G, NLC // G, neighbors))
    k_g = jnp.take_along_axis(k_nl, idx2, axis=3)           # [B,G,c,K]
    v_g = jnp.take_along_axis(v_nl, idx2, axis=3)
    v_g = v_g * jnp.tanh(val2)
    out_all = jnp.matmul(jnp.swapaxes(q_nl, 2, 3), k_g)     # [B,G,N,K]
    out_all = jax.nn.softmax(out_all, axis=-1)
    out_all = jnp.matmul(out_all, jnp.swapaxes(v_g, 2, 3))  # [B,G,N,c]
    out_all = jnp.transpose(out_all, (0, 1, 3, 2)).reshape(batch, NLC, npoints, 1)
    # 3. Concat (layer > 0)
    return jnp.concatenate([out_l, out_all], axis=1)        # [B,256,N,1]

if __name__ == "__main__":
    import jax
    _d = setup_inputs()
    print(jax.jit(kernel)(*tuple(_d.values())))

</pallas_src>

<mosaic_0001>
#map = affine_map<(d0, d1) -> (0)>
module attributes {stable_mosaic.version = 14 : i64} {
  func.func @_sc_scatter_body(%arg0: i32, %arg1: i32, %arg2: memref<262160xi32, #tpu.memory_space<hbm>>, %arg3: memref<262144xf32, #tpu.memory_space<hbm>>, %arg4: memref<65536xf32, #tpu.memory_space<hbm>>, %arg5: memref<8208xi32, #tpu.memory_space<vmem>>, %arg6: memref<8192xf32, #tpu.memory_space<vmem>>, %arg7: memref<2048xf32, #tpu.memory_space<vmem>>) attributes {dimension_semantics = [#tpu.dimension_semantics<core_parallel>, #tpu.dimension_semantics<subcore_parallel>], iteration_bounds = array<i64: 2, 16>, scalar_prefetch = 0 : i64, scratch_operands = 3 : i64, tpu.core_type = #tpu.core_type<sc_vector_subcore>, window_params = [{transform_indices = #map}, {transform_indices = #map}, {transform_indices = #map}]} {
    %mul3A = arith.constant 2 : i32
    %mul3A_0 = arith.muli %arg1, %mul3A : i32
    %add3A = arith.addi %mul3A_0, %arg0 : i32
    %mul3A_1 = arith.constant 8192 : i32
    %mul3A_2 = arith.muli %add3A, %mul3A_1 : i32
    "tpu.region"() ({
      %run_scoped3A = tpu.sem_alloc : memref<!tpu.dma_semaphore, #tpu.memory_space<semaphore_mem>>
      %dma_start3A = tpu.memref_slice %arg2[%mul3A_2] : memref<262160xi32, #tpu.memory_space<hbm>> -> memref<8208xi32, #tpu.memory_space<hbm>>
      %dma_start3A_18 = tpu.memref_slice %arg2[%mul3A_2] : memref<262160xi32, #tpu.memory_space<hbm>> -> memref<8208xi32, #tpu.memory_space<hbm>>
      tpu.enqueue_dma source(%dma_start3A_18 : memref<8208xi32, #tpu.memory_space<hbm>>) target(%arg5 : memref<8208xi32, #tpu.memory_space<vmem>>) target_semaphore(%run_scoped3A : memref<!tpu.dma_semaphore, #tpu.memory_space<semaphore_mem>>)
      %dma_wait3A = tpu.memref_slice %arg2[%mul3A_2] : memref<262160xi32, #tpu.memory_space<hbm>> -> memref<8208xi32, #tpu.memory_space<hbm>>
      %dma_wait3A_19 = tpu.memref_slice %arg2[%mul3A_2] : memref<262160xi32, #tpu.memory_space<hbm>> -> memref<8208xi32, #tpu.memory_space<hbm>>
      tpu.wait_dma2 semaphore(%run_scoped3A : memref<!tpu.dma_semaphore, #tpu.memory_space<semaphore_mem>>) src(%dma_wait3A_19 : memref<8208xi32, #tpu.memory_space<hbm>>) dst(%arg5 : memref<8208xi32, #tpu.memory_space<vmem>>)
      tpu.yield
    }) : () -> ()
    %mul3A_3 = arith.constant 8192 : i32
    %mul3A_4 = arith.muli %add3A, %mul3A_3 : i32
    "tpu.region"() ({
      %run_scoped3A = tpu.sem_alloc : memref<!tpu.dma_semaphore, #tpu.memory_space<semaphore_mem>>
      %dma_start3A = tpu.memref_slice %arg3[%mul3A_4] : memref<262144xf32, #tpu.memory_space<hbm>> -> memref<8192xf32, #tpu.memory_space<hbm>>
      %dma_start3A_18 = tpu.memref_slice %arg3[%mul3A_4] : memref<262144xf32, #tpu.memory_space<hbm>> -> memref<8192xf32, #tpu.memory_space<hbm>>
      tpu.enqueue_dma source(%dma_start3A_18 : memref<8192xf32, #tpu.memory_space<hbm>>) target(%arg6 : memref<8192xf32, #tpu.memory_space<vmem>>) target_semaphore(%run_scoped3A : memref<!tpu.dma_semaphore, #tpu.memory_space<semaphore_mem>>)
      %dma_wait3A = tpu.memref_slice %arg3[%mul3A_4] : memref<262144xf32, #tpu.memory_space<hbm>> -> memref<8192xf32, #tpu.memory_space<hbm>>
      %dma_wait3A_19 = tpu.memref_slice %arg3[%mul3A_4] : memref<262144xf32, #tpu.memory_space<hbm>> -> memref<8192xf32, #tpu.memory_space<hbm>>
      tpu.wait_dma2 semaphore(%run_scoped3A : memref<!tpu.dma_semaphore, #tpu.memory_space<semaphore_mem>>) src(%dma_wait3A_19 : memref<8192xf32, #tpu.memory_space<hbm>>) dst(%arg6 : memref<8192xf32, #tpu.memory_space<vmem>>)
      tpu.yield
    }) : () -> ()
    %scan3A = arith.constant 0 : i32
    %scan3A_5 = arith.constant 0 : i32
    %scan3A_6 = arith.constant 128 : i32
    %scan3A_7 = arith.addi %scan3A_5, %scan3A_6 : i32
    %scan3A_8 = arith.constant 1 : i32
    scf.for %scan3A_18 = %scan3A_5 to %scan3A_7 step %scan3A_8  : i32 {
      %broadcast_in_dim3A = arith.constant 0.000000e+00 : f32
      %broadcast_in_dim3A_19 = vector.broadcast %broadcast_in_dim3A : f32 to vector<16xf32>
      %mul3A_20 = arith.constant 16 : i32
      %mul3A_21 = arith.muli %scan3A_18, %mul3A_20 : i32
      %swap3A = arith.index_cast %mul3A_21 : i32 to index
      %swap3A_22 = tpu.vector_load %arg7[%swap3A] {strides = array<i32>} : memref<2048xf32, #tpu.memory_space<vmem>>, vector<16xf32>,
      tpu.vector_store %arg7[%swap3A], %broadcast_in_dim3A_19 {strides = array<i32>} : memref<2048xf32, #tpu.memory_space<vmem>>, vector<16xf32>,
    }
    %scan3A_9 = arith.constant 128 : i32
    %scan3A_10 = arith.constant 0 : i32
    %scan3A_11 = arith.constant 0 : i32
    %scan3A_12 = arith.constant 512 : i32
    %scan3A_13 = arith.addi %scan3A_11, %scan3A_12 : i32
    %scan3A_14 = arith.constant 1 : i32
    scf.for %scan3A_18 = %scan3A_11 to %scan3A_13 step %scan3A_14  : i32 {
      %mul3A_19 = arith.constant 16 : i32
      %mul3A_20 = arith.muli %scan3A_18, %mul3A_19 : i32
      %get3A = arith.index_cast %mul3A_20 : i32 to index
      %get3A_21 = tpu.vector_load %arg5[%get3A] {strides = array<i32>} : memref<8208xi32, #tpu.memory_space<vmem>>, vector<16xi32>,
      %mul3A_22 = arith.constant 16 : i32
      %mul3A_23 = arith.muli %scan3A_18, %mul3A_22 : i32
      %add3A_24 = arith.constant 1 : i32
      %add3A_25 = arith.addi %mul3A_23, %add3A_24 : i32
      %get3A_26 = arith.index_cast %add3A_25 : i32 to index
      %get3A_27 = tpu.vector_load %arg5[%get3A_26] {strides = array<i32>} : memref<8208xi32, #tpu.memory_space<vmem>>, vector<16xi32>,
      %mul3A_28 = arith.constant 16 : i32
      %mul3A_29 = arith.muli %scan3A_18, %mul3A_28 : i32
      %get3A_30 = arith.index_cast %mul3A_29 : i32 to index
      %get3A_31 = tpu.vector_load %arg6[%get3A_30] {strides = array<i32>} : memref<8192xf32, #tpu.memory_space<vmem>>, vector<16xf32>,
      %ne3A = arith.cmpi ne, %get3A_21, %get3A_27 : vector<16xi32>
      %and3A = arith.constant 2047 : i32
      %and3A_32 = vector.broadcast %and3A : i32 to vector<16xi32>
      %and3A_33 = arith.andi %get3A_21, %and3A_32 : vector<16xi32>
      %jit3A = arith.constant 0.000000e+00 : f32
      %broadcast_in_dim3A = vector.broadcast %jit3A : f32 to vector<16xf32>
      %select_n3A = arith.select %ne3A, %get3A_31, %broadcast_in_dim3A : vector<16xi1>, vector<16xf32>
      tpu.vector_store_idx %arg7[%and3A_33], %select_n3A {add = true} : memref<2048xf32, #tpu.memory_space<vmem>>[vector<16xi32>], vector<16xf32>,
    }
    %scan3A_15 = arith.constant 512 : i32
    %mul3A_16 = arith.constant 2048 : i32
    %mul3A_17 = arith.muli %add3A, %mul3A_16 : i32
    "tpu.region"() ({
      %run_scoped3A = tpu.sem_alloc : memref<!tpu.dma_semaphore, #tpu.memory_space<semaphore_mem>>
      %dma_start3A = tpu.memref_slice %arg4[%mul3A_17] : memref<65536xf32, #tpu.memory_space<hbm>> -> memref<2048xf32, #tpu.memory_space<hbm>>
      %dma_start3A_18 = tpu.memref_slice %arg4[%mul3A_17] : memref<65536xf32, #tpu.memory_space<hbm>> -> memref<2048xf32, #tpu.memory_space<hbm>>
      tpu.enqueue_dma source(%arg7 : memref<2048xf32, #tpu.memory_space<vmem>>) target(%dma_start3A_18 : memref<2048xf32, #tpu.memory_space<hbm>>) target_semaphore(%run_scoped3A : memref<!tpu.dma_semaphore, #tpu.memory_space<semaphore_mem>>)
      %dma_wait3A = tpu.memref_slice %arg4[%mul3A_17] : memref<65536xf32, #tpu.memory_space<hbm>> -> memref<2048xf32, #tpu.memory_space<hbm>>
      %dma_wait3A_19 = tpu.memref_slice %arg4[%mul3A_17] : memref<65536xf32, #tpu.memory_space<hbm>> -> memref<2048xf32, #tpu.memory_space<hbm>>
      tpu.wait_dma2 semaphore(%run_scoped3A : memref<!tpu.dma_semaphore, #tpu.memory_space<semaphore_mem>>) src(%arg7 : memref<2048xf32, #tpu.memory_space<vmem>>) dst(%dma_wait3A_19 : memref<2048xf32, #tpu.memory_space<hbm>>)
      tpu.yield
    }) : () -> ()
    return
  }
}

module attributes {stable_mosaic.version = 14 : i64} {
  func.func @_local_body(%arg0: i32, %arg1: i32, %arg2: memref<1x256x4096xf32, #tpu.memory_space<vmem>>, %arg3: memref<1x128x256xf32, #tpu.memory_space<vmem>>, %arg4: memref<192x256xf32, #tpu.memory_space<vmem>>, %arg5: memref<192x256xf32, #tpu.memory_space<vmem>>, %arg6: memref<192x256xf32, #tpu.memory_space<vmem>>, %arg7: memref<64x128xf32, #tpu.memory_space<vmem>>, %arg8: memref<64x128xf32, #tpu.memory_space<vmem>>, %arg9: memref<64x128xf32, #tpu.memory_space<vmem>>, %arg10: memref<1x192x256xf32, #tpu.memory_space<vmem>>, %arg11: memref<1x4x4096xf32, #tpu.memory_space<vmem>>, %arg12: memref<1x64x256xf32, #tpu.memory_space<vmem>>, %arg13: memref<1x64x256xf32, #tpu.memory_space<vmem>>, %arg14: memref<1x64x256xf32, #tpu.memory_space<vmem>>) attributes {dimension_semantics = [#tpu.dimension_semantics<arbitrary>, #tpu.dimension_semantics<arbitrary>], iteration_bounds = array<i64: 2, 8>, scalar_prefetch = 0 : i64, scratch_operands = 0 : i64, tpu.core_type = #tpu.core_type<tc>, window_params = [{transform_indices = @transform_0, window_bounds = array<i64: 1, 256, 4096>}, {transform_indices = @transform_1, window_bounds = array<i64: 1, 128, 256>}, {pipeline_mode = #tpu.pipeline_mode<synchronous>, transform_indices = @transform_2, window_bounds = array<i64: 192, 256>}, {pipeline_mode = #tpu.pipeline_mode<synchronous>, transform_indices = @transform_3, window_bounds = array<i64: 192, 256>}, {pipeline_mode = #tpu.pipeline_mode<synchronous>, transform_indices = @transform_4, window_bounds = array<i64: 192, 256>}, {pipeline_mode = #tpu.pipeline_mode<synchronous>, transform_indices = @transform_5, window_bounds = array<i64: 64, 128>}, {pipeline_mode = #tpu.pipeline_mode<synchronous>, transform_indices = @transform_6, window_bounds = array<i64: 64, 128>}, {pipeline_mode = #tpu.pipeline_mode<synchronous>, transform_indices = @transform_7, window_bounds = array<i64: 64, 128>}, {transform_indices = @transform_8, window_bounds = array<i64: 1, 192, 256>}, {transform_indices = @transform_9, window_bounds = array<i64: 1, 4, 4096>}, {transform_indices = @transform_10, window_bounds = array<i64: 1, 64, 256>}, {transform_indices = @transform_11, window_bounds = array<i64: 1, 64, 256>}, {transform_indices = @transform_12, window_bounds = array<i64: 1, 64, 256>}]} {
    %get3A = arith.constant 0 : index
    %get3A_0 = arith.constant 0 : index
    %get3A_1 = arith.constant 0 : index
    %get3A_2 = vector.load %arg2[%get3A, %get3A_0, %get3A_1] : memref<1x256x4096xf32, #tpu.memory_space<vmem>>, vector<1x256x4096xf32>
    %get3A_3 = vector.shape_cast %get3A_2 : vector<1x256x4096xf32> to vector<256x4096xf32>
    %get3A_4 = arith.constant 0 : index
    %get3A_5 = arith.constant 0 : index
    %get3A_6 = vector.load %arg4[%get3A_4, %get3A_5] : memref<192x256xf32, #tpu.memory_space<vmem>>, vector<192x256xf32>
    %dot_general3A = arith.constant dense<0.000000e+00> : vector<192x4096xf32>
    %dot_general3A_7 = tpu.matmul %get3A_6, %get3A_3, %dot_general3A {dimension_numbers = #tpu.dot_dimension_numbers<[1], [0], [0], [1], [0, 0, 1, 1], [], []>, transpose_lhs_hint = false} : vector<192x256xf32>, vector<256x4096xf32>, vector<192x4096xf32> -> vector<192x4096xf32>
    %get3A_8 = arith.constant 0 : index
    %get3A_9 = arith.constant 0 : index
    %get3A_10 = vector.load %arg5[%get3A_8, %get3A_9] : memref<192x256xf32, #tpu.memory_space<vmem>>, vector<192x256xf32>
    %dot_general3A_11 = arith.constant dense<0.000000e+00> : vector<192x4096xf32>
    %dot_general3A_12 = tpu.matmul %get3A_10, %get3A_3, %dot_general3A_11 {dimension_numbers = #tpu.dot_dimension_numbers<[1], [0], [0], [1], [0, 0, 1, 1], [], []>, transpose_lhs_hint = false} : vector<192x256xf32>, vector<256x4096xf32>, vector<192x4096xf32> -> vector<192x4096xf32>
    %get3A_13 = arith.constant 0 : index
    %get3A_14 = arith.constant 0 : index
    %get3A_15 = vector.load %arg6[%get3A_13, %get3A_14] : memref<192x256xf32, #tpu.memory_space<vmem>>, vector<192x256xf32>
    %dot_general3A_16 = arith.constant dense<0.000000e+00> : vector<192x4096xf32>
    %dot_general3A_17 = tpu.matmul %get3A_15, %get3A_3, %dot_general3A_16 {dimension_numbers = #tpu.dot_dimension_numbers<[1], [0], [0], [1], [0, 0, 1, 1], [], []>, transpose_lhs_hint = false} : vector<192x256xf32>, vector<256x4096xf32>, vector<192x4096xf32> -> vector<192x4096xf32>
    %mul3A = arith.mulf %dot_general3A_7, %dot_general3A_12 : vector<192x4096xf32>
    %reshape3A = vector.shape_cast %mul3A : vector<192x4096xf32> to vector<4x48x4096xf32>
    %reduce_sum3A = arith.constant dense<0.000000e+00> : vector<4x4096xf32>
    %reduce_sum3A_18 = vector.multi_reduction <add>, %reshape3A, %reduce_sum3A [1] : vector<4x48x4096xf32> to vector<4x4096xf32>
    %reshape3A_19 = vector.shape_cast %reduce_sum3A_18 : vector<4x4096xf32> to vector<4x256x16xf32>
    %reduce_max3A = arith.constant dense<0xFF800000> : vector<4x256xf32>
    %reduce_max3A_20 = vector.multi_reduction <maximumf>, %reshape3A_19, %reduce_max3A [2] : vector<4x256x16xf32> to vector<4x256xf32>
    %broadcast_in_dim3A = vector.shape_cast %reduce_max3A_20 : vector<4x256xf32> to vector<4x256x1xf32>
    %sub3A = vector.broadcast %broadcast_in_dim3A : vector<4x256x1xf32> to vector<4x256x16xf32>
    %sub3A_21 = arith.subf %reshape3A_19, %sub3A : vector<4x256x16xf32>
    %exp3A = math.exp %sub3A_21 : vector<4x256x16xf32>
    %reduce_sum3A_22 = arith.constant dense<0.000000e+00> : vector<4x256xf32>
    %reduce_sum3A_23 = vector.multi_reduction <add>, %exp3A, %reduce_sum3A_22 [2] : vector<4x256x16xf32> to vector<4x256xf32>
    %broadcast_in_dim3A_24 = vector.shape_cast %reduce_sum3A_23 : vector<4x256xf32> to vector<4x256x1xf32>
    %div3A = vector.broadcast %broadcast_in_dim3A_24 : vector<4x256x1xf32> to vector<4x256x16xf32>
    %div3A_25 = arith.divf %exp3A, %div3A : vector<4x256x16xf32>
    %reshape3A_26 = vector.shape_cast %div3A_25 : vector<4x256x16xf32> to vector<4x4096xf32>
    %swap3A = arith.constant 0 : index
    %swap3A_27 = arith.constant 0 : index
    %swap3A_28 = arith.constant 0 : index
    %swap3A_29 = vector.load %arg11[%swap3A, %swap3A_27, %swap3A_28] : memref<1x4x4096xf32, #tpu.memory_space<vmem>>, vector<1x4x4096xf32>
    %swap3A_30 = vector.shape_cast %swap3A_29 : vector<1x4x4096xf32> to vector<4x4096xf32>
    %swap3A_31 = vector.shape_cast %reshape3A_26 : vector<4x4096xf32> to vector<1x4x4096xf32>
    tpu.vector_store %arg11[%swap3A, %swap3A_27, %swap3A_28], %swap3A_31 {strides = array<i32>} : memref<1x4x4096xf32, #tpu.memory_space<vmem>>, vector<1x4x4096xf32>,
    %reshape3A_32 = vector.shape_cast %div3A_25 : vector<4x256x16xf32> to vector<4x4096xf32>
    %broadcast_in_dim3A_33 = vector.shape_cast %reshape3A_32 : vector<4x4096xf32> to vector<4x1x4096xf32>
    %broadcast_in_dim3A_34 = vector.shape_cast %broadcast_in_dim3A_33 : vector<4x1x4096xf32> to vector<4x1x4096xf32>
    %broadcast_in_dim3A_35 = vector.broadcast %broadcast_in_dim3A_34 : vector<4x1x4096xf32> to vector<4x48x4096xf32>
    %reshape3A_36 = vector.shape_cast %broadcast_in_dim3A_35 : vector<4x48x4096xf32> to vector<192x4096xf32>
    %mul3A_37 = arith.mulf %reshape3A_36, %dot_general3A_17 : vector<192x4096xf32>
    %iota3A = tpu.iota {dimensions = array<i32: 0>} : vector<4096x256xi32>
    %jit3A = arith.constant 16 : i32
    %div3A_38 = vector.broadcast %jit3A : i32 to vector<4096x256xi32>
    %div3A_39 = arith.divsi %iota3A, %div3A_38 : vector<4096x256xi32>
    %sign3A = arith.constant 0 : i32
    %sign3A_40 = vector.broadcast %sign3A : i32 to vector<4096x256xi32>
    %sign3A_41 = arith.cmpi sgt, %iota3A, %sign3A_40 : vector<4096x256xi32>
    %sign3A_42 = arith.extui %sign3A_41 : vector<4096x256xi1> to vector<4096x256xi32>
    %sign3A_43 = arith.constant 0 : i32
    %sign3A_44 = vector.broadcast %sign3A_43 : i32 to vector<4096x256xi32>
    %sign3A_45 = arith.cmpi slt, %iota3A, %sign3A_44 : vector<4096x256xi32>
    %sign3A_46 = arith.extui %sign3A_45 : vector<4096x256xi1> to vector<4096x256xi32>
    %sign3A_47 = arith.subi %sign3A_42, %sign3A_46 : vector<4096x256xi32>
    %sign3A_48 = arith.constant 0 : i32
    %sign3A_49 = arith.cmpi sgt, %jit3A, %sign3A_48 : i32
    %sign3A_50 = arith.extui %sign3A_49 : i1 to i32
    %sign3A_51 = arith.constant 0 : i32
    %sign3A_52 = arith.cmpi slt, %jit3A, %sign3A_51 : i32
    %sign3A_53 = arith.extui %sign3A_52 : i1 to i32
    %sign3A_54 = arith.subi %sign3A_50, %sign3A_53 : i32
    %ne3A = vector.broadcast %sign3A_54 : i32 to vector<4096x256xi32>
    %ne3A_55 = arith.cmpi ne, %sign3A_47, %ne3A : vector<4096x256xi32>
    %rem3A = vector.broadcast %jit3A : i32 to vector<4096x256xi32>
    %rem3A_56 = arith.remsi %iota3A, %rem3A : vector<4096x256xi32>
    %ne3A_57 = arith.constant 0 : i32
    %ne3A_58 = vector.broadcast %ne3A_57 : i32 to vector<4096x256xi32>
    %ne3A_59 = arith.cmpi ne, %rem3A_56, %ne3A_58 : vector<4096x256xi32>
    %and3A = arith.andi %ne3A_55, %ne3A_59 : vector<4096x256xi1>
    %sub3A_60 = arith.constant 1 : i32
    %sub3A_61 = vector.broadcast %sub3A_60 : i32 to vector<4096x256xi32>
    %sub3A_62 = arith.subi %div3A_39, %sub3A_61 : vector<4096x256xi32>
    %select_n3A = arith.select %and3A, %sub3A_62, %div3A_39 : vector<4096x256xi1>, vector<4096x256xi32>
    %iota3A_63 = tpu.iota {dimensions = array<i32: 1>} : vector<4096x256xi32>
    %eq3A = arith.cmpi eq, %select_n3A, %iota3A_63 : vector<4096x256xi32>
    %convert_element_type3A = arith.extui %eq3A : vector<4096x256xi1> to vector<4096x256xi32>
    %convert_element_type3A_64 = arith.sitofp %convert_element_type3A : vector<4096x256xi32> to vector<4096x256xf32>
    %dot_general3A_65 = arith.constant dense<0.000000e+00> : vector<192x256xf32>
    %dot_general3A_66 = tpu.matmul %mul3A_37, %convert_element_type3A_64, %dot_general3A_65 {dimension_numbers = #tpu.dot_dimension_numbers<[1], [0], [0], [1], [0, 0, 1, 1], [], []>, transpose_lhs_hint = false} : vector<192x4096xf32>, vector<4096x256xf32>, vector<192x256xf32> -> vector<192x256xf32>
    %swap3A_67 = arith.constant 0 : index
    %swap3A_68 = arith.constant 0 : index
    %swap3A_69 = arith.constant 0 : index
    %swap3A_70 = vector.load %arg10[%swap3A_67, %swap3A_68, %swap3A_69] : memref<1x192x256xf32, #tpu.memory_space<vmem>>, vector<1x192x256xf32>
    %swap3A_71 = vector.shape_cast %swap3A_70 : vector<1x192x256xf32> to vector<192x256xf32>
    %swap3A_72 = vector.shape_cast %dot_general3A_66 : vector<192x256xf32> to vector<1x192x256xf32>
    tpu.vector_store %arg10[%swap3A_67, %swap3A_68, %swap3A_69], %swap3A_72 {strides = array<i32>} : memref<1x192x256xf32, #tpu.memory_space<vmem>>, vector<1x192x256xf32>,
    %get3A_73 = arith.constant 0 : index
    %get3A_74 = arith.constant 0 : index
    %get3A_75 = arith.constant 0 : index
    %get3A_76 = vector.load %arg3[%get3A_73, %get3A_74, %get3A_75] : memref<1x128x256xf32, #tpu.memory_space<vmem>>, vector<1x128x256xf32>
    %get3A_77 = vector.shape_cast %get3A_76 : vector<1x128x256xf32> to vector<128x256xf32>
    %get3A_78 = arith.constant 0 : index
    %get3A_79 = arith.constant 0 : index
    %get3A_80 = vector.load %arg7[%get3A_78, %get3A_79] : memref<64x128xf32, #tpu.memory_space<vmem>>, vector<64x128xf32>
    %dot_general3A_81 = arith.constant dense<0.000000e+00> : vector<64x256xf32>
    %dot_general3A_82 = tpu.matmul %get3A_80, %get3A_77, %dot_general3A_81 {dimension_numbers = #tpu.dot_dimension_numbers<[1], [0], [0], [1], [0, 0, 1, 1], [], []>, transpose_lhs_hint = false} : vector<64x128xf32>, vector<128x256xf32>, vector<64x256xf32> -> vector<64x256xf32>
    %swap3A_83 = arith.constant 0 : index
    %swap3A_84 = arith.constant 0 : index
    %swap3A_85 = arith.constant 0 : index
    %swap3A_86 = vector.load %arg12[%swap3A_83, %swap3A_84, %swap3A_85] : memref<1x64x256xf32, #tpu.memory_space<vmem>>, vector<1x64x256xf32>
    %swap3A_87 = vector.shape_cast %swap3A_86 : vector<1x64x256xf32> to vector<64x256xf32>
    %swap3A_88 = vector.shape_cast %dot_general3A_82 : vector<64x256xf32> to vector<1x64x256xf32>
    tpu.vector_store %arg12[%swap3A_83, %swap3A_84, %swap3A_85], %swap3A_88 {strides = array<i32>} : memref<1x64x256xf32, #tpu.memory_space<vmem>>, vector<1x64x256xf32>,
    %get3A_89 = arith.constant 0 : index
    %get3A_90 = arith.constant 0 : index
    %get3A_91 = vector.load %arg8[%get3A_89, %get3A_90] : memref<64x128xf32, #tpu.memory_space<vmem>>, vector<64x128xf32>
    %dot_general3A_92 = arith.constant dense<0.000000e+00> : vector<64x256xf32>
    %dot_general3A_93 = tpu.matmul %get3A_91, %get3A_77, %dot_general3A_92 {dimension_numbers = #tpu.dot_dimension_numbers<[1], [0], [0], [1], [0, 0, 1, 1], [], []>, transpose_lhs_hint = false} : vector<64x128xf32>, vector<128x256xf32>, vector<64x256xf32> -> vector<64x256xf32>
    %swap3A_94 = arith.constant 0 : index
    %swap3A_95 = arith.constant 0 : index
    %swap3A_96 = arith.constant 0 : index
    %swap3A_97 = vector.load %arg13[%swap3A_94, %swap3A_95, %swap3A_96] : memref<1x64x256xf32, #tpu.memory_space<vmem>>, vector<1x64x256xf32>
    %swap3A_98 = vector.shape_cast %swap3A_97 : vector<1x64x256xf32> to vector<64x256xf32>
    %swap3A_99 = vector.shape_cast %dot_general3A_93 : vector<64x256xf32> to vector<1x64x256xf32>
    tpu.vector_store %arg13[%swap3A_94, %swap3A_95, %swap3A_96], %swap3A_99 {strides = array<i32>} : memref<1x64x256xf32, #tpu.memory_space<vmem>>, vector<1x64x256xf32>,
    %get3A_100 = arith.constant 0 : index
    %get3A_101 = arith.constant 0 : index
    %get3A_102 = vector.load %arg9[%get3A_100, %get3A_101] : memref<64x128xf32, #tpu.memory_space<vmem>>, vector<64x128xf32>
    %dot_general3A_103 = arith.constant dense<0.000000e+00> : vector<64x256xf32>
    %dot_general3A_104 = tpu.matmul %get3A_102, %get3A_77, %dot_general3A_103 {dimension_numbers = #tpu.dot_dimension_numbers<[1], [0], [0], [1], [0, 0, 1, 1], [], []>, transpose_lhs_hint = false} : vector<64x128xf32>, vector<128x256xf32>, vector<64x256xf32> -> vector<64x256xf32>
    %swap3A_105 = arith.constant 0 : index
    %swap3A_106 = arith.constant 0 : index
    %swap3A_107 = arith.constant 0 : index
    %swap3A_108 = vector.load %arg14[%swap3A_105, %swap3A_106, %swap3A_107] : memref<1x64x256xf32, #tpu.memory_space<vmem>>, vector<1x64x256xf32>
    %swap3A_109 = vector.shape_cast %swap3A_108 : vector<1x64x256xf32> to vector<64x256xf32>
    %swap3A_110 = vector.shape_cast %dot_general3A_104 : vector<64x256xf32> to vector<1x64x256xf32>
    tpu.vector_store %arg14[%swap3A_105, %swap3A_106, %swap3A_107], %swap3A_110 {strides = array<i32>} : memref<1x64x256xf32, #tpu.memory_space<vmem>>, vector<1x64x256xf32>,
    return
  }
  func.func @transform_0(%arg0: i32, %arg1: i32) -> (i32, i32, i32) {
    %c0_i32 = arith.constant 0 : i32
    %c0_i32_0 = arith.constant 0 : i32
    return %arg0, %c0_i32, %arg1 : i32, i32, i32
  }
  func.func @transform_1(%arg0: i32, %arg1: i32) -> (i32, i32, i32) {
    %c0_i32 = arith.constant 0 : i32
    %c0_i32_0 = arith.constant 0 : i32
    return %arg0, %c0_i32, %arg1 : i32, i32, i32
  }
  func.func @transform_2(%arg0: i32, %arg1: i32) -> (i32, i32) {
    %c0_i32 = arith.constant 0 : i32
    %c0_i32_0 = arith.constant 0 : i32
    %c0_i32_1 = arith.constant 0 : i32
    return %c0_i32, %c0_i32_0 : i32, i32
  }
  func.func @transform_3(%arg0: i32, %arg1: i32) -> (i32, i32) {
    %c0_i32 = arith.constant 0 : i32
    %c0_i32_0 = arith.constant 0 : i32
    %c0_i32_1 = arith.constant 0 : i32
    return %c0_i32, %c0_i32_0 : i32, i32
  }
  func.func @transform_4(%arg0: i32, %arg1: i32) -> (i32, i32) {
    %c0_i32 = arith.constant 0 : i32
    %c0_i32_0 = arith.constant 0 : i32
    %c0_i32_1 = arith.constant 0 : i32
    return %c0_i32, %c0_i32_0 : i32, i32
  }
  func.func @transform_5(%arg0: i32, %arg1: i32) -> (i32, i32) {
    %c0_i32 = arith.constant 0 : i32
    %c0_i32_0 = arith.constant 0 : i32
    %c0_i32_1 = arith.constant 0 : i32
    return %c0_i32, %c0_i32_0 : i32, i32
  }
  func.func @transform_6(%arg0: i32, %arg1: i32) -> (i32, i32) {
    %c0_i32 = arith.constant 0 : i32
    %c0_i32_0 = arith.constant 0 : i32
    %c0_i32_1 = arith.constant 0 : i32
    return %c0_i32, %c0_i32_0 : i32, i32
  }
  func.func @transform_7(%arg0: i32, %arg1: i32) -> (i32, i32) {
    %c0_i32 = arith.constant 0 : i32
    %c0_i32_0 = arith.constant 0 : i32
    %c0_i32_1 = arith.constant 0 : i32
    return %c0_i32, %c0_i32_0 : i32, i32
  }
  func.func @transform_8(%arg0: i32, %arg1: i32) -> (i32, i32, i32) {
    %c0_i32 = arith.constant 0 : i32
    %c0_i32_0 = arith.constant 0 : i32
    return %arg0, %c0_i32, %arg1 : i32, i32, i32
  }
  func.func @transform_9(%arg0: i32, %arg1: i32) -> (i32, i32, i32) {
    %c0_i32 = arith.constant 0 : i32
    %c0_i32_0 = arith.constant 0 : i32
    return %arg0, %c0_i32, %arg1 : i32, i32, i32
  }
  func.func @transform_10(%arg0: i32, %arg1: i32) -> (i32, i32, i32) {
    %c0_i32 = arith.constant 0 : i32
    %c0_i32_0 = arith.constant 0 : i32
    return %arg0, %c0_i32, %arg1 : i32, i32, i32
  }
  func.func @transform_11(%arg0: i32, %arg1: i32) -> (i32, i32, i32) {
    %c0_i32 = arith.constant 0 : i32
    %c0_i32_0 = arith.constant 0 : i32
    return %arg0, %c0_i32, %arg1 : i32, i32, i32
  }
  func.func @transform_12(%arg0: i32, %arg1: i32) -> (i32, i32, i32) {
    %c0_i32 = arith.constant 0 : i32
    %c0_i32_0 = arith.constant 0 : i32
    return %arg0, %c0_i32, %arg1 : i32, i32, i32
  }
}

module attributes {stable_mosaic.version = 14 : i64} {
  func.func @_nl_body(%arg0: memref<8x4x2048xf32, #tpu.memory_space<vmem>>, %arg1: memref<2x64x2048xf32, #tpu.memory_space<vmem>>, %arg2: memref<2x64x2048xf32, #tpu.memory_space<vmem>>, %arg3: memref<2x64x2048xf32, #tpu.memory_space<vmem>>, %arg4: memref<2x64x2048xf32, #tpu.memory_space<vmem>>) attributes {dimension_semantics = [], scalar_prefetch = 0 : i64, scratch_operands = 0 : i64, tpu.core_type = #tpu.core_type<tc>} {
    %get3A = arith.constant 0 : index
    %get3A_0 = arith.constant 0 : index
    %get3A_1 = arith.constant 0 : index
    %get3A_2 = vector.load %arg0[%get3A, %get3A_0, %get3A_1] : memref<8x4x2048xf32, #tpu.memory_space<vmem>>, vector<8x4x2048xf32>
    %reduce_sum3A = arith.constant dense<0.000000e+00> : vector<8x2048xf32>
    %reduce_sum3A_3 = vector.multi_reduction <add>, %get3A_2, %reduce_sum3A [1] : vector<8x4x2048xf32> to vector<8x2048xf32>
    %iota3A = tpu.iota {dimensions = array<i32: 1>} : vector<8x2048xi32>
    %reduce_max3A = arith.constant dense<0xFF800000> : vector<8xf32>
    %reduce_max3A_4 = vector.multi_reduction <maximumf>, %reduce_sum3A_3, %reduce_max3A [1] : vector<8x2048xf32> to vector<8xf32>
    %broadcast_in_dim3A = vector.shape_cast %reduce_max3A_4 : vector<8xf32> to vector<8x1xf32>
    %eq3A = vector.broadcast %broadcast_in_dim3A : vector<8x1xf32> to vector<8x2048xf32>
    %eq3A_5 = arith.cmpf oeq, %reduce_sum3A_3, %eq3A : vector<8x2048xf32>
    %jit3A = arith.constant 2048 : i32
    %broadcast_in_dim3A_6 = vector.broadcast %jit3A : i32 to vector<8x2048xi32>
    %select_n3A = arith.select %eq3A_5, %iota3A, %broadcast_in_dim3A_6 : vector<8x2048xi1>, vector<8x2048xi32>
    %reduce_min3A = arith.constant dense<2147483647> : vector<8xi32>
    %reduce_min3A_7 = vector.multi_reduction <minsi>, %select_n3A, %reduce_min3A [1] : vector<8x2048xi32> to vector<8xi32>
    %broadcast_in_dim3A_8 = vector.shape_cast %reduce_min3A_7 : vector<8xi32> to vector<8x1xi32>
    %eq3A_9 = vector.broadcast %broadcast_in_dim3A_8 : vector<8x1xi32> to vector<8x2048xi32>
    %eq3A_10 = arith.cmpi eq, %iota3A, %eq3A_9 : vector<8x2048xi32>
    %jit3A_11 = arith.constant 0xFF800000 : f32
    %broadcast_in_dim3A_12 = vector.broadcast %jit3A_11 : f32 to vector<8x2048xf32>
    %select_n3A_13 = arith.select %eq3A_10, %broadcast_in_dim3A_12, %reduce_sum3A_3 : vector<8x2048xi1>, vector<8x2048xf32>
    %reduce_max3A_14 = arith.constant dense<0xFF800000> : vector<8xf32>
    %reduce_max3A_15 = vector.multi_reduction <maximumf>, %select_n3A_13, %reduce_max3A_14 [1] : vector<8x2048xf32> to vector<8xf32>
    %broadcast_in_dim3A_16 = vector.shape_cast %reduce_max3A_15 : vector<8xf32> to vector<8x1xf32>
    %eq3A_17 = vector.broadcast %broadcast_in_dim3A_16 : vector<8x1xf32> to vector<8x2048xf32>
    %eq3A_18 = arith.cmpf oeq, %select_n3A_13, %eq3A_17 : vector<8x2048xf32>
    %jit3A_19 = arith.constant 2048 : i32
    %broadcast_in_dim3A_20 = vector.broadcast %jit3A_19 : i32 to vector<8x2048xi32>
    %select_n3A_21 = arith.select %eq3A_18, %iota3A, %broadcast_in_dim3A_20 : vector<8x2048xi1>, vector<8x2048xi32>
    %reduce_min3A_22 = arith.constant dense<2147483647> : vector<8xi32>
    %reduce_min3A_23 = vector.multi_reduction <minsi>, %select_n3A_21, %reduce_min3A_22 [1] : vector<8x2048xi32> to vector<8xi32>
    %broadcast_in_dim3A_24 = vector.shape_cast %reduce_min3A_23 : vector<8xi32> to vector<8x1xi32>
    %eq3A_25 = vector.broadcast %broadcast_in_dim3A_24 : vector<8x1xi32> to vector<8x2048xi32>
    %eq3A_26 = arith.cmpi eq, %iota3A, %eq3A_25 : vector<8x2048xi32>
    %jit3A_27 = arith.constant 0xFF800000 : f32
    %broadcast_in_dim3A_28 = vector.broadcast %jit3A_27 : f32 to vector<8x2048xf32>
    %select_n3A_29 = arith.select %eq3A_26, %broadcast_in_dim3A_28, %select_n3A_13 : vector<8x2048xi1>, vector<8x2048xf32>
    %reduce_max3A_30 = arith.constant dense<0xFF800000> : vector<8xf32>
    %reduce_max3A_31 = vector.multi_reduction <maximumf>, %select_n3A_29, %reduce_max3A_30 [1] : vector<8x2048xf32> to vector<8xf32>
    %broadcast_in_dim3A_32 = vector.shape_cast %reduce_max3A_31 : vector<8xf32> to vector<8x1xf32>
    %eq3A_33 = vector.broadcast %broadcast_in_dim3A_32 : vector<8x1xf32> to vector<8x2048xf32>
    %eq3A_34 = arith.cmpf oeq, %select_n3A_29, %eq3A_33 : vector<8x2048xf32>
    %jit3A_35 = arith.constant 2048 : i32
    %broadcast_in_dim3A_36 = vector.broadcast %jit3A_35 : i32 to vector<8x2048xi32>
    %select_n3A_37 = arith.select %eq3A_34, %iota3A, %broadcast_in_dim3A_36 : vector<8x2048xi1>, vector<8x2048xi32>
    %reduce_min3A_38 = arith.constant dense<2147483647> : vector<8xi32>
    %reduce_min3A_39 = vector.multi_reduction <minsi>, %select_n3A_37, %reduce_min3A_38 [1] : vector<8x2048xi32> to vector<8xi32>
    %broadcast_in_dim3A_40 = vector.shape_cast %reduce_min3A_39 : vector<8xi32> to vector<8x1xi32>
    %eq3A_41 = vector.broadcast %broadcast_in_dim3A_40 : vector<8x1xi32> to vector<8x2048xi32>
    %eq3A_42 = arith.cmpi eq, %iota3A, %eq3A_41 : vector<8x2048xi32>
    %jit3A_43 = arith.constant 0xFF800000 : f32
    %broadcast_in_dim3A_44 = vector.broadcast %jit3A_43 : f32 to vector<8x2048xf32>
    %select_n3A_45 = arith.select %eq3A_42, %broadcast_in_dim3A_44, %select_n3A_29 : vector<8x2048xi1>, vector<8x2048xf32>
    %reduce_max3A_46 = arith.constant dense<0xFF800000> : vector<8xf32>
    %reduce_max3A_47 = vector.multi_reduction <maximumf>, %select_n3A_45, %reduce_max3A_46 [1] : vector<8x2048xf32> to vector<8xf32>
    %broadcast_in_dim3A_48 = vector.shape_cast %reduce_max3A_47 : vector<8xf32> to vector<8x1xf32>
    %eq3A_49 = vector.broadcast %broadcast_in_dim3A_48 : vector<8x1xf32> to vector<8x2048xf32>
    %eq3A_50 = arith.cmpf oeq, %select_n3A_45, %eq3A_49 : vector<8x2048xf32>
    %jit3A_51 = arith.constant 2048 : i32
    %broadcast_in_dim3A_52 = vector.broadcast %jit3A_51 : i32 to vector<8x2048xi32>
    %select_n3A_53 = arith.select %eq3A_50, %iota3A, %broadcast_in_dim3A_52 : vector<8x2048xi1>, vector<8x2048xi32>
    %reduce_min3A_54 = arith.constant dense<2147483647> : vector<8xi32>
    %reduce_min3A_55 = vector.multi_reduction <minsi>, %select_n3A_53, %reduce_min3A_54 [1] : vector<8x2048xi32> to vector<8xi32>
    %broadcast_in_dim3A_56 = vector.shape_cast %reduce_min3A_55 : vector<8xi32> to vector<8x1xi32>
    %eq3A_57 = vector.broadcast %broadcast_in_dim3A_56 : vector<8x1xi32> to vector<8x2048xi32>
    %eq3A_58 = arith.cmpi eq, %iota3A, %eq3A_57 : vector<8x2048xi32>
    %jit3A_59 = arith.constant 0xFF800000 : f32
    %broadcast_in_dim3A_60 = vector.broadcast %jit3A_59 : f32 to vector<8x2048xf32>
    %select_n3A_61 = arith.select %eq3A_58, %broadcast_in_dim3A_60, %select_n3A_45 : vector<8x2048xi1>, vector<8x2048xf32>
    %reduce_max3A_62 = arith.constant dense<0xFF800000> : vector<8xf32>
    %reduce_max3A_63 = vector.multi_reduction <maximumf>, %select_n3A_61, %reduce_max3A_62 [1] : vector<8x2048xf32> to vector<8xf32>
    %broadcast_in_dim3A_64 = vector.shape_cast %reduce_max3A_63 : vector<8xf32> to vector<8x1xf32>
    %eq3A_65 = vector.broadcast %broadcast_in_dim3A_64 : vector<8x1xf32> to vector<8x2048xf32>
    %eq3A_66 = arith.cmpf oeq, %select_n3A_61, %eq3A_65 : vector<8x2048xf32>
    %jit3A_67 = arith.constant 2048 : i32
    %broadcast_in_dim3A_68 = vector.broadcast %jit3A_67 : i32 to vector<8x2048xi32>
    %select_n3A_69 = arith.select %eq3A_66, %iota3A, %broadcast_in_dim3A_68 : vector<8x2048xi1>, vector<8x2048xi32>
    %reduce_min3A_70 = arith.constant dense<2147483647> : vector<8xi32>
    %reduce_min3A_71 = vector.multi_reduction <minsi>, %select_n3A_69, %reduce_min3A_70 [1] : vector<8x2048xi32> to vector<8xi32>
    %broadcast_in_dim3A_72 = vector.shape_cast %reduce_min3A_71 : vector<8xi32> to vector<8x1xi32>
    %eq3A_73 = vector.broadcast %broadcast_in_dim3A_72 : vector<8x1xi32> to vector<8x2048xi32>
    %eq3A_74 = arith.cmpi eq, %iota3A, %eq3A_73 : vector<8x2048xi32>
    %jit3A_75 = arith.constant 0xFF800000 : f32
    %broadcast_in_dim3A_76 = vector.broadcast %jit3A_75 : f32 to vector<8x2048xf32>
    %select_n3A_77 = arith.select %eq3A_74, %broadcast_in_dim3A_76, %select_n3A_61 : vector<8x2048xi1>, vector<8x2048xf32>
    %reduce_max3A_78 = arith.constant dense<0xFF800000> : vector<8xf32>
    %reduce_max3A_79 = vector.multi_reduction <maximumf>, %select_n3A_77, %reduce_max3A_78 [1] : vector<8x2048xf32> to vector<8xf32>
    %broadcast_in_dim3A_80 = vector.shape_cast %reduce_max3A_79 : vector<8xf32> to vector<8x1xf32>
    %eq3A_81 = vector.broadcast %broadcast_in_dim3A_80 : vector<8x1xf32> to vector<8x2048xf32>
    %eq3A_82 = arith.cmpf oeq, %select_n3A_77, %eq3A_81 : vector<8x2048xf32>
    %jit3A_83 = arith.constant 2048 : i32
    %broadcast_in_dim3A_84 = vector.broadcast %jit3A_83 : i32 to vector<8x2048xi32>
    %select_n3A_85 = arith.select %eq3A_82, %iota3A, %broadcast_in_dim3A_84 : vector<8x2048xi1>, vector<8x2048xi32>
    %reduce_min3A_86 = arith.constant dense<2147483647> : vector<8xi32>
    %reduce_min3A_87 = vector.multi_reduction <minsi>, %select_n3A_85, %reduce_min3A_86 [1] : vector<8x2048xi32> to vector<8xi32>
    %broadcast_in_dim3A_88 = vector.shape_cast %reduce_min3A_87 : vector<8xi32> to vector<8x1xi32>
    %eq3A_89 = vector.broadcast %broadcast_in_dim3A_88 : vector<8x1xi32> to vector<8x2048xi32>
    %eq3A_90 = arith.cmpi eq, %iota3A, %eq3A_89 : vector<8x2048xi32>
    %jit3A_91 = arith.constant 0xFF800000 : f32
    %broadcast_in_dim3A_92 = vector.broadcast %jit3A_91 : f32 to vector<8x2048xf32>
    %select_n3A_93 = arith.select %eq3A_90, %broadcast_in_dim3A_92, %select_n3A_77 : vector<8x2048xi1>, vector<8x2048xf32>
    %reduce_max3A_94 = arith.constant dense<0xFF800000> : vector<8xf32>
    %reduce_max3A_95 = vector.multi_reduction <maximumf>, %select_n3A_93, %reduce_max3A_94 [1] : vector<8x2048xf32> to vector<8xf32>
    %broadcast_in_dim3A_96 = vector.shape_cast %reduce_max3A_95 : vector<8xf32> to vector<8x1xf32>
    %eq3A_97 = vector.broadcast %broadcast_in_dim3A_96 : vector<8x1xf32> to vector<8x2048xf32>
    %eq3A_98 = arith.cmpf oeq, %select_n3A_93, %eq3A_97 : vector<8x2048xf32>
    %jit3A_99 = arith.constant 2048 : i32
    %broadcast_in_dim3A_100 = vector.broadcast %jit3A_99 : i32 to vector<8x2048xi32>
    %select_n3A_101 = arith.select %eq3A_98, %iota3A, %broadcast_in_dim3A_100 : vector<8x2048xi1>, vector<8x2048xi32>
    %reduce_min3A_102 = arith.constant dense<2147483647> : vector<8xi32>
    %reduce_min3A_103 = vector.multi_reduction <minsi>, %select_n3A_101, %reduce_min3A_102 [1] : vector<8x2048xi32> to vector<8xi32>
    %broadcast_in_dim3A_104 = vector.shape_cast %reduce_min3A_103 : vector<8xi32> to vector<8x1xi32>
    %eq3A_105 = vector.broadcast %broadcast_in_dim3A_104 : vector<8x1xi32> to vector<8x2048xi32>
    %eq3A_106 = arith.cmpi eq, %iota3A, %eq3A_105 : vector<8x2048xi32>
    %jit3A_107 = arith.constant 0xFF800000 : f32
    %broadcast_in_dim3A_108 = vector.broadcast %jit3A_107 : f32 to vector<8x2048xf32>
    %select_n3A_109 = arith.select %eq3A_106, %broadcast_in_dim3A_108, %select_n3A_93 : vector<8x2048xi1>, vector<8x2048xf32>
    %reduce_max3A_110 = arith.constant dense<0xFF800000> : vector<8xf32>
    %reduce_max3A_111 = vector.multi_reduction <maximumf>, %select_n3A_109, %reduce_max3A_110 [1] : vector<8x2048xf32> to vector<8xf32>
    %broadcast_in_dim3A_112 = vector.shape_cast %reduce_max3A_111 : vector<8xf32> to vector<8x1xf32>
    %eq3A_113 = vector.broadcast %broadcast_in_dim3A_112 : vector<8x1xf32> to vector<8x2048xf32>
    %eq3A_114 = arith.cmpf oeq, %select_n3A_109, %eq3A_113 : vector<8x2048xf32>
    %jit3A_115 = arith.constant 2048 : i32
    %broadcast_in_dim3A_116 = vector.broadcast %jit3A_115 : i32 to vector<8x2048xi32>
    %select_n3A_117 = arith.select %eq3A_114, %iota3A, %broadcast_in_dim3A_116 : vector<8x2048xi1>, vector<8x2048xi32>
    %reduce_min3A_118 = arith.constant dense<2147483647> : vector<8xi32>
    %reduce_min3A_119 = vector.multi_reduction <minsi>, %select_n3A_117, %reduce_min3A_118 [1] : vector<8x2048xi32> to vector<8xi32>
    %broadcast_in_dim3A_120 = vector.shape_cast %reduce_min3A_119 : vector<8xi32> to vector<8x1xi32>
    %eq3A_121 = vector.broadcast %broadcast_in_dim3A_120 : vector<8x1xi32> to vector<8x2048xi32>
    %eq3A_122 = arith.cmpi eq, %iota3A, %eq3A_121 : vector<8x2048xi32>
    %jit3A_123 = arith.constant 0xFF800000 : f32
    %broadcast_in_dim3A_124 = vector.broadcast %jit3A_123 : f32 to vector<8x2048xf32>
    %select_n3A_125 = arith.select %eq3A_122, %broadcast_in_dim3A_124, %select_n3A_109 : vector<8x2048xi1>, vector<8x2048xf32>
    %reduce_max3A_126 = arith.constant dense<0xFF800000> : vector<8xf32>
    %reduce_max3A_127 = vector.multi_reduction <maximumf>, %select_n3A_125, %reduce_max3A_126 [1] : vector<8x2048xf32> to vector<8xf32>
    %broadcast_in_dim3A_128 = vector.shape_cast %reduce_max3A_127 : vector<8xf32> to vector<8x1xf32>
    %eq3A_129 = vector.broadcast %broadcast_in_dim3A_128 : vector<8x1xf32> to vector<8x2048xf32>
    %eq3A_130 = arith.cmpf oeq, %select_n3A_125, %eq3A_129 : vector<8x2048xf32>
    %jit3A_131 = arith.constant 2048 : i32
    %broadcast_in_dim3A_132 = vector.broadcast %jit3A_131 : i32 to vector<8x2048xi32>
    %select_n3A_133 = arith.select %eq3A_130, %iota3A, %broadcast_in_dim3A_132 : vector<8x2048xi1>, vector<8x2048xi32>
    %reduce_min3A_134 = arith.constant dense<2147483647> : vector<8xi32>
    %reduce_min3A_135 = vector.multi_reduction <minsi>, %select_n3A_133, %reduce_min3A_134 [1] : vector<8x2048xi32> to vector<8xi32>
    %broadcast_in_dim3A_136 = vector.shape_cast %reduce_min3A_135 : vector<8xi32> to vector<8x1xi32>
    %eq3A_137 = vector.broadcast %broadcast_in_dim3A_136 : vector<8x1xi32> to vector<8x2048xi32>
    %eq3A_138 = arith.cmpi eq, %iota3A, %eq3A_137 : vector<8x2048xi32>
    %jit3A_139 = arith.constant 0xFF800000 : f32
    %broadcast_in_dim3A_140 = vector.broadcast %jit3A_139 : f32 to vector<8x2048xf32>
    %select_n3A_141 = arith.select %eq3A_138, %broadcast_in_dim3A_140, %select_n3A_125 : vector<8x2048xi1>, vector<8x2048xf32>
    %reduce_max3A_142 = arith.constant dense<0xFF800000> : vector<8xf32>
    %reduce_max3A_143 = vector.multi_reduction <maximumf>, %select_n3A_141, %reduce_max3A_142 [1] : vector<8x2048xf32> to vector<8xf32>
    %broadcast_in_dim3A_144 = vector.shape_cast %reduce_max3A_143 : vector<8xf32> to vector<8x1xf32>
    %eq3A_145 = vector.broadcast %broadcast_in_dim3A_144 : vector<8x1xf32> to vector<8x2048xf32>
    %eq3A_146 = arith.cmpf oeq, %select_n3A_141, %eq3A_145 : vector<8x2048xf32>
    %jit3A_147 = arith.constant 2048 : i32
    %broadcast_in_dim3A_148 = vector.broadcast %jit3A_147 : i32 to vector<8x2048xi32>
    %select_n3A_149 = arith.select %eq3A_146, %iota3A, %broadcast_in_dim3A_148 : vector<8x2048xi1>, vector<8x2048xi32>
    %reduce_min3A_150 = arith.constant dense<2147483647> : vector<8xi32>
    %reduce_min3A_151 = vector.multi_reduction <minsi>, %select_n3A_149, %reduce_min3A_150 [1] : vector<8x2048xi32> to vector<8xi32>
    %broadcast_in_dim3A_152 = vector.shape_cast %reduce_min3A_151 : vector<8xi32> to vector<8x1xi32>
    %eq3A_153 = vector.broadcast %broadcast_in_dim3A_152 : vector<8x1xi32> to vector<8x2048xi32>
    %eq3A_154 = arith.cmpi eq, %iota3A, %eq3A_153 : vector<8x2048xi32>
    %jit3A_155 = arith.constant 0xFF800000 : f32
    %broadcast_in_dim3A_156 = vector.broadcast %jit3A_155 : f32 to vector<8x2048xf32>
    %select_n3A_157 = arith.select %eq3A_154, %broadcast_in_dim3A_156, %select_n3A_141 : vector<8x2048xi1>, vector<8x2048xf32>
    %reduce_max3A_158 = arith.constant dense<0xFF800000> : vector<8xf32>
    %reduce_max3A_159 = vector.multi_reduction <maximumf>, %select_n3A_157, %reduce_max3A_158 [1] : vector<8x2048xf32> to vector<8xf32>
    %broadcast_in_dim3A_160 = vector.shape_cast %reduce_max3A_159 : vector<8xf32> to vector<8x1xf32>
    %eq3A_161 = vector.broadcast %broadcast_in_dim3A_160 : vector<8x1xf32> to vector<8x2048xf32>
    %eq3A_162 = arith.cmpf oeq, %select_n3A_157, %eq3A_161 : vector<8x2048xf32>
    %jit3A_163 = arith.constant 2048 : i32
    %broadcast_in_dim3A_164 = vector.broadcast %jit3A_163 : i32 to vector<8x2048xi32>
    %select_n3A_165 = arith.select %eq3A_162, %iota3A, %broadcast_in_dim3A_164 : vector<8x2048xi1>, vector<8x2048xi32>
    %reduce_min3A_166 = arith.constant dense<2147483647> : vector<8xi32>
    %reduce_min3A_167 = vector.multi_reduction <minsi>, %select_n3A_165, %reduce_min3A_166 [1] : vector<8x2048xi32> to vector<8xi32>
    %broadcast_in_dim3A_168 = vector.shape_cast %reduce_min3A_167 : vector<8xi32> to vector<8x1xi32>
    %eq3A_169 = vector.broadcast %broadcast_in_dim3A_168 : vector<8x1xi32> to vector<8x2048xi32>
    %eq3A_170 = arith.cmpi eq, %iota3A, %eq3A_169 : vector<8x2048xi32>
    %jit3A_171 = arith.constant 0xFF800000 : f32
    %broadcast_in_dim3A_172 = vector.broadcast %jit3A_171 : f32 to vector<8x2048xf32>
    %select_n3A_173 = arith.select %eq3A_170, %broadcast_in_dim3A_172, %select_n3A_157 : vector<8x2048xi1>, vector<8x2048xf32>
    %reduce_max3A_174 = arith.constant dense<0xFF800000> : vector<8xf32>
    %reduce_max3A_175 = vector.multi_reduction <maximumf>, %select_n3A_173, %reduce_max3A_174 [1] : vector<8x2048xf32> to vector<8xf32>
    %broadcast_in_dim3A_176 = vector.shape_cast %reduce_max3A_175 : vector<8xf32> to vector<8x1xf32>
    %eq3A_177 = vector.broadcast %broadcast_in_dim3A_176 : vector<8x1xf32> to vector<8x2048xf32>
    %eq3A_178 = arith.cmpf oeq, %select_n3A_173, %eq3A_177 : vector<8x2048xf32>
    %jit3A_179 = arith.constant 2048 : i32
    %broadcast_in_dim3A_180 = vector.broadcast %jit3A_179 : i32 to vector<8x2048xi32>
    %select_n3A_181 = arith.select %eq3A_178, %iota3A, %broadcast_in_dim3A_180 : vector<8x2048xi1>, vector<8x2048xi32>
    %reduce_min3A_182 = arith.constant dense<2147483647> : vector<8xi32>
    %reduce_min3A_183 = vector.multi_reduction <minsi>, %select_n3A_181, %reduce_min3A_182 [1] : vector<8x2048xi32> to vector<8xi32>
    %broadcast_in_dim3A_184 = vector.shape_cast %reduce_min3A_183 : vector<8xi32> to vector<8x1xi32>
    %eq3A_185 = vector.broadcast %broadcast_in_dim3A_184 : vector<8x1xi32> to vector<8x2048xi32>
    %eq3A_186 = arith.cmpi eq, %iota3A, %eq3A_185 : vector<8x2048xi32>
    %jit3A_187 = arith.constant 0xFF800000 : f32
    %broadcast_in_dim3A_188 = vector.broadcast %jit3A_187 : f32 to vector<8x2048xf32>
    %select_n3A_189 = arith.select %eq3A_186, %broadcast_in_dim3A_188, %select_n3A_173 : vector<8x2048xi1>, vector<8x2048xf32>
    %reduce_max3A_190 = arith.constant dense<0xFF800000> : vector<8xf32>
    %reduce_max3A_191 = vector.multi_reduction <maximumf>, %select_n3A_189, %reduce_max3A_190 [1] : vector<8x2048xf32> to vector<8xf32>
    %broadcast_in_dim3A_192 = vector.shape_cast %reduce_max3A_191 : vector<8xf32> to vector<8x1xf32>
    %eq3A_193 = vector.broadcast %broadcast_in_dim3A_192 : vector<8x1xf32> to vector<8x2048xf32>
    %eq3A_194 = arith.cmpf oeq, %select_n3A_189, %eq3A_193 : vector<8x2048xf32>
    %jit3A_195 = arith.constant 2048 : i32
    %broadcast_in_dim3A_196 = vector.broadcast %jit3A_195 : i32 to vector<8x2048xi32>
    %select_n3A_197 = arith.select %eq3A_194, %iota3A, %broadcast_in_dim3A_196 : vector<8x2048xi1>, vector<8x2048xi32>
    %reduce_min3A_198 = arith.constant dense<2147483647> : vector<8xi32>
    %reduce_min3A_199 = vector.multi_reduction <minsi>, %select_n3A_197, %reduce_min3A_198 [1] : vector<8x2048xi32> to vector<8xi32>
    %broadcast_in_dim3A_200 = vector.shape_cast %reduce_min3A_199 : vector<8xi32> to vector<8x1xi32>
    %eq3A_201 = vector.broadcast %broadcast_in_dim3A_200 : vector<8x1xi32> to vector<8x2048xi32>
    %eq3A_202 = arith.cmpi eq, %iota3A, %eq3A_201 : vector<8x2048xi32>
    %jit3A_203 = arith.constant 0xFF800000 : f32
    %broadcast_in_dim3A_204 = vector.broadcast %jit3A_203 : f32 to vector<8x2048xf32>
    %select_n3A_205 = arith.select %eq3A_202, %broadcast_in_dim3A_204, %select_n3A_189 : vector<8x2048xi1>, vector<8x2048xf32>
    %reduce_max3A_206 = arith.constant dense<0xFF800000> : vector<8xf32>
    %reduce_max3A_207 = vector.multi_reduction <maximumf>, %select_n3A_205, %reduce_max3A_206 [1] : vector<8x2048xf32> to vector<8xf32>
    %broadcast_in_dim3A_208 = vector.shape_cast %reduce_max3A_207 : vector<8xf32> to vector<8x1xf32>
    %eq3A_209 = vector.broadcast %broadcast_in_dim3A_208 : vector<8x1xf32> to vector<8x2048xf32>
    %eq3A_210 = arith.cmpf oeq, %select_n3A_205, %eq3A_209 : vector<8x2048xf32>
    %jit3A_211 = arith.constant 2048 : i32
    %broadcast_in_dim3A_212 = vector.broadcast %jit3A_211 : i32 to vector<8x2048xi32>
    %select_n3A_213 = arith.select %eq3A_210, %iota3A, %broadcast_in_dim3A_212 : vector<8x2048xi1>, vector<8x2048xi32>
    %reduce_min3A_214 = arith.constant dense<2147483647> : vector<8xi32>
    %reduce_min3A_215 = vector.multi_reduction <minsi>, %select_n3A_213, %reduce_min3A_214 [1] : vector<8x2048xi32> to vector<8xi32>
    %broadcast_in_dim3A_216 = vector.shape_cast %reduce_min3A_215 : vector<8xi32> to vector<8x1xi32>
    %eq3A_217 = vector.broadcast %broadcast_in_dim3A_216 : vector<8x1xi32> to vector<8x2048xi32>
    %eq3A_218 = arith.cmpi eq, %iota3A, %eq3A_217 : vector<8x2048xi32>
    %jit3A_219 = arith.constant 0xFF800000 : f32
    %broadcast_in_dim3A_220 = vector.broadcast %jit3A_219 : f32 to vector<8x2048xf32>
    %select_n3A_221 = arith.select %eq3A_218, %broadcast_in_dim3A_220, %select_n3A_205 : vector<8x2048xi1>, vector<8x2048xf32>
    %reduce_max3A_222 = arith.constant dense<0xFF800000> : vector<8xf32>
    %reduce_max3A_223 = vector.multi_reduction <maximumf>, %select_n3A_221, %reduce_max3A_222 [1] : vector<8x2048xf32> to vector<8xf32>
    %broadcast_in_dim3A_224 = vector.shape_cast %reduce_max3A_223 : vector<8xf32> to vector<8x1xf32>
    %eq3A_225 = vector.broadcast %broadcast_in_dim3A_224 : vector<8x1xf32> to vector<8x2048xf32>
    %eq3A_226 = arith.cmpf oeq, %select_n3A_221, %eq3A_225 : vector<8x2048xf32>
    %jit3A_227 = arith.constant 2048 : i32
    %broadcast_in_dim3A_228 = vector.broadcast %jit3A_227 : i32 to vector<8x2048xi32>
    %select_n3A_229 = arith.select %eq3A_226, %iota3A, %broadcast_in_dim3A_228 : vector<8x2048xi1>, vector<8x2048xi32>
    %reduce_min3A_230 = arith.constant dense<2147483647> : vector<8xi32>
    %reduce_min3A_231 = vector.multi_reduction <minsi>, %select_n3A_229, %reduce_min3A_230 [1] : vector<8x2048xi32> to vector<8xi32>
    %broadcast_in_dim3A_232 = vector.shape_cast %reduce_min3A_231 : vector<8xi32> to vector<8x1xi32>
    %eq3A_233 = vector.broadcast %broadcast_in_dim3A_232 : vector<8x1xi32> to vector<8x2048xi32>
    %eq3A_234 = arith.cmpi eq, %iota3A, %eq3A_233 : vector<8x2048xi32>
    %jit3A_235 = arith.constant 0xFF800000 : f32
    %broadcast_in_dim3A_236 = vector.broadcast %jit3A_235 : f32 to vector<8x2048xf32>
    %select_n3A_237 = arith.select %eq3A_234, %broadcast_in_dim3A_236, %select_n3A_221 : vector<8x2048xi1>, vector<8x2048xf32>
    %reduce_max3A_238 = arith.constant dense<0xFF800000> : vector<8xf32>
    %reduce_max3A_239 = vector.multi_reduction <maximumf>, %select_n3A_237, %reduce_max3A_238 [1] : vector<8x2048xf32> to vector<8xf32>
    %broadcast_in_dim3A_240 = vector.shape_cast %reduce_max3A_239 : vector<8xf32> to vector<8x1xf32>
    %eq3A_241 = vector.broadcast %broadcast_in_dim3A_240 : vector<8x1xf32> to vector<8x2048xf32>
    %eq3A_242 = arith.cmpf oeq, %select_n3A_237, %eq3A_241 : vector<8x2048xf32>
    %jit3A_243 = arith.constant 2048 : i32
    %broadcast_in_dim3A_244 = vector.broadcast %jit3A_243 : i32 to vector<8x2048xi32>
    %select_n3A_245 = arith.select %eq3A_242, %iota3A, %broadcast_in_dim3A_244 : vector<8x2048xi1>, vector<8x2048xi32>
    %reduce_min3A_246 = arith.constant dense<2147483647> : vector<8xi32>
    %reduce_min3A_247 = vector.multi_reduction <minsi>, %select_n3A_245, %reduce_min3A_246 [1] : vector<8x2048xi32> to vector<8xi32>
    %broadcast_in_dim3A_248 = vector.shape_cast %reduce_min3A_247 : vector<8xi32> to vector<8x1xi32>
    %concatenate3A = tpu.concatenate %broadcast_in_dim3A, %broadcast_in_dim3A_16, %broadcast_in_dim3A_32, %broadcast_in_dim3A_48, %broadcast_in_dim3A_64, %broadcast_in_dim3A_80, %broadcast_in_dim3A_96, %broadcast_in_dim3A_112, %broadcast_in_dim3A_128, %broadcast_in_dim3A_144, %broadcast_in_dim3A_160, %broadcast_in_dim3A_176, %broadcast_in_dim3A_192, %broadcast_in_dim3A_208, %broadcast_in_dim3A_224, %broadcast_in_dim3A_240 in 1 : vector<8x1xf32>, vector<8x1xf32>, vector<8x1xf32>, vector<8x1xf32>, vector<8x1xf32>, vector<8x1xf32>, vector<8x1xf32>, vector<8x1xf32>, vector<8x1xf32>, vector<8x1xf32>, vector<8x1xf32>, vector<8x1xf32>, vector<8x1xf32>, vector<8x1xf32>, vector<8x1xf32>, vector<8x1xf32> -> vector<8x16xf32>
    %concatenate3A_249 = tpu.concatenate %broadcast_in_dim3A_8, %broadcast_in_dim3A_24, %broadcast_in_dim3A_40, %broadcast_in_dim3A_56, %broadcast_in_dim3A_72, %broadcast_in_dim3A_88, %broadcast_in_dim3A_104, %broadcast_in_dim3A_120, %broadcast_in_dim3A_136, %broadcast_in_dim3A_152, %broadcast_in_dim3A_168, %broadcast_in_dim3A_184, %broadcast_in_dim3A_200, %broadcast_in_dim3A_216, %broadcast_in_dim3A_232, %broadcast_in_dim3A_248 in 1 : vector<8x1xi32>, vector<8x1xi32>, vector<8x1xi32>, vector<8x1xi32>, vector<8x1xi32>, vector<8x1xi32>, vector<8x1xi32>, vector<8x1xi32>, vector<8x1xi32>, vector<8x1xi32>, vector<8x1xi32>, vector<8x1xi32>, vector<8x1xi32>, vector<8x1xi32>, vector<8x1xi32>, vector<8x1xi32> -> vector<8x16xi32>
    %tanh3A = math.tanh %concatenate3A : vector<8x16xf32>
    %slice3A = vector.extract_strided_slice %concatenate3A_249 {offsets = [0, 0], sizes = [1, 16], strides = [1, 1]} : vector<8x16xi32> to vector<1x16xi32>
    %squeeze3A = vector.shape_cast %slice3A : vector<1x16xi32> to vector<16xi32>
    %broadcast_in_dim3A_250 = vector.shape_cast %squeeze3A : vector<16xi32> to vector<16x1xi32>
    %broadcast_in_dim3A_251 = vector.shape_cast %broadcast_in_dim3A_250 : vector<16x1xi32> to vector<16x1xi32>
    %broadcast_in_dim3A_252 = vector.broadcast %broadcast_in_dim3A_251 : vector<16x1xi32> to vector<16x2048xi32>
    %iota3A_253 = tpu.iota {dimensions = array<i32: 1>} : vector<16x2048xi32>
    %eq3A_254 = arith.cmpi eq, %broadcast_in_dim3A_252, %iota3A_253 : vector<16x2048xi32>
    %convert_element_type3A = arith.extui %eq3A_254 : vector<16x2048xi1> to vector<16x2048xi32>
    %convert_element_type3A_255 = arith.sitofp %convert_element_type3A : vector<16x2048xi32> to vector<16x2048xf32>
    %get3A_256 = arith.constant 0 : index
    %get3A_257 = arith.constant 0 : index
    %get3A_258 = arith.constant 0 : index
    %get3A_259 = vector.load %arg1[%get3A_256, %get3A_257, %get3A_258] : memref<2x64x2048xf32, #tpu.memory_space<vmem>>, vector<1x16x2048xf32>
    %get3A_260 = vector.shape_cast %get3A_259 : vector<1x16x2048xf32> to vector<16x2048xf32>
    %get3A_261 = arith.constant 0 : index
    %get3A_262 = arith.constant 0 : index
    %get3A_263 = arith.constant 0 : index
    %get3A_264 = vector.load %arg2[%get3A_261, %get3A_262, %get3A_263] : memref<2x64x2048xf32, #tpu.memory_space<vmem>>, vector<1x16x2048xf32>
    %get3A_265 = vector.shape_cast %get3A_264 : vector<1x16x2048xf32> to vector<16x2048xf32>
    %get3A_266 = arith.constant 0 : index
    %get3A_267 = arith.constant 0 : index
    %get3A_268 = arith.constant 0 : index
    %get3A_269 = vector.load %arg3[%get3A_266, %get3A_267, %get3A_268] : memref<2x64x2048xf32, #tpu.memory_space<vmem>>, vector<1x16x2048xf32>
    %get3A_270 = vector.shape_cast %get3A_269 : vector<1x16x2048xf32> to vector<16x2048xf32>
    %dot_general3A = arith.constant dense<0.000000e+00> : vector<16x16xf32>
    %dot_general3A_271 = tpu.matmul %convert_element_type3A_255, %get3A_265, %dot_general3A {dimension_numbers = #tpu.dot_dimension_numbers<[1], [1], [0], [0], [0, 0, 1, 0], [], []>, transpose_lhs_hint = false} : vector<16x2048xf32>, vector<16x2048xf32>, vector<16x16xf32> -> vector<16x16xf32>
    %dot_general3A_272 = arith.constant dense<0.000000e+00> : vector<16x16xf32>
    %dot_general3A_273 = tpu.matmul %convert_element_type3A_255, %get3A_270, %dot_general3A_272 {dimension_numbers = #tpu.dot_dimension_numbers<[1], [1], [0], [0], [0, 0, 1, 0], [], []>, transpose_lhs_hint = false} : vector<16x2048xf32>, vector<16x2048xf32>, vector<16x16xf32> -> vector<16x16xf32>
    %slice3A_274 = vector.extract_strided_slice %tanh3A {offsets = [0, 0], sizes = [1, 16], strides = [1, 1]} : vector<8x16xf32> to vector<1x16xf32>
    %squeeze3A_275 = vector.shape_cast %slice3A_274 : vector<1x16xf32> to vector<16xf32>
    %broadcast_in_dim3A_276 = vector.shape_cast %squeeze3A_275 : vector<16xf32> to vector<16x1xf32>
    %broadcast_in_dim3A_277 = vector.shape_cast %broadcast_in_dim3A_276 : vector<16x1xf32> to vector<16x1xf32>
    %broadcast_in_dim3A_278 = vector.broadcast %broadcast_in_dim3A_277 : vector<16x1xf32> to vector<16x16xf32>
    %mul3A = arith.mulf %dot_general3A_273, %broadcast_in_dim3A_278 : vector<16x16xf32>
    %dot_general3A_279 = arith.constant dense<0.000000e+00> : vector<16x2048xf32>
    %dot_general3A_280 = tpu.matmul %dot_general3A_271, %get3A_260, %dot_general3A_279 {dimension_numbers = #tpu.dot_dimension_numbers<[1], [0], [0], [1], [0, 0, 1, 1], [], []>, transpose_lhs_hint = false} : vector<16x16xf32>, vector<16x2048xf32>, vector<16x2048xf32> -> vector<16x2048xf32>
    %reduce_max3A_281 = arith.constant dense<0xFF800000> : vector<2048xf32>
    %reduce_max3A_282 = vector.multi_reduction <maximumf>, %dot_general3A_280, %reduce_max3A_281 [0] : vector<16x2048xf32> to vector<2048xf32>
    %broadcast_in_dim3A_283 = vector.shape_cast %reduce_max3A_282 : vector<2048xf32> to vector<1x2048xf32>
    %sub3A = vector.broadcast %broadcast_in_dim3A_283 : vector<1x2048xf32> to vector<16x2048xf32>
    %sub3A_284 = arith.subf %dot_general3A_280, %sub3A : vector<16x2048xf32>
    %exp3A = math.exp %sub3A_284 : vector<16x2048xf32>
    %reduce_sum3A_285 = arith.constant dense<0.000000e+00> : vector<2048xf32>
    %reduce_sum3A_286 = vector.multi_reduction <add>, %exp3A, %reduce_sum3A_285 [0] : vector<16x2048xf32> to vector<2048xf32>
    %broadcast_in_dim3A_287 = vector.shape_cast %reduce_sum3A_286 : vector<2048xf32> to vector<1x2048xf32>
    %div3A = vector.broadcast %broadcast_in_dim3A_287 : vector<1x2048xf32> to vector<16x2048xf32>
    %div3A_288 = arith.divf %exp3A, %div3A : vector<16x2048xf32>
    %dot_general3A_289 = arith.constant dense<0.000000e+00> : vector<16x2048xf32>
    %dot_general3A_290 = tpu.matmul %mul3A, %div3A_288, %dot_general3A_289 {dimension_numbers = #tpu.dot_dimension_numbers<[0], [0], [1], [1], [0, 1, 1, 1], [], []>, transpose_lhs_hint = false} : vector<16x16xf32>, vector<16x2048xf32>, vector<16x2048xf32> -> vector<16x2048xf32>
    %swap3A = arith.constant 0 : index
    %swap3A_291 = arith.constant 0 : index
    %swap3A_292 = arith.constant 0 : index
    %swap3A_293 = vector.load %arg4[%swap3A, %swap3A_291, %swap3A_292] : memref<2x64x2048xf32, #tpu.memory_space<vmem>>, vector<1x16x2048xf32>
    %swap3A_294 = vector.shape_cast %swap3A_293 : vector<1x16x2048xf32> to vector<16x2048xf32>
    %swap3A_295 = vector.shape_cast %dot_general3A_290 : vector<16x2048xf32> to vector<1x16x2048xf32>
    tpu.vector_store %arg4[%swap3A, %swap3A_291, %swap3A_292], %swap3A_295 {strides = array<i32>} : memref<2x64x2048xf32, #tpu.memory_space<vmem>>, vector<1x16x2048xf32>,
    %slice3A_296 = vector.extract_strided_slice %concatenate3A_249 {offsets = [1, 0], sizes = [1, 16], strides = [1, 1]} : vector<8x16xi32> to vector<1x16xi32>
    %squeeze3A_297 = vector.shape_cast %slice3A_296 : vector<1x16xi32> to vector<16xi32>
    %broadcast_in_dim3A_298 = vector.shape_cast %squeeze3A_297 : vector<16xi32> to vector<16x1xi32>
    %broadcast_in_dim3A_299 = vector.shape_cast %broadcast_in_dim3A_298 : vector<16x1xi32> to vector<16x1xi32>
    %broadcast_in_dim3A_300 = vector.broadcast %broadcast_in_dim3A_299 : vector<16x1xi32> to vector<16x2048xi32>
    %iota3A_301 = tpu.iota {dimensions = array<i32: 1>} : vector<16x2048xi32>
    %eq3A_302 = arith.cmpi eq, %broadcast_in_dim3A_300, %iota3A_301 : vector<16x2048xi32>
    %convert_element_type3A_303 = arith.extui %eq3A_302 : vector<16x2048xi1> to vector<16x2048xi32>
    %convert_element_type3A_304 = arith.sitofp %convert_element_type3A_303 : vector<16x2048xi32> to vector<16x2048xf32>
    %get3A_305 = arith.constant 0 : index
    %get3A_306 = arith.constant 16 : index
    %get3A_307 = arith.constant 0 : index
    %get3A_308 = vector.load %arg1[%get3A_305, %get3A_306, %get3A_307] : memref<2x64x2048xf32, #tpu.memory_space<vmem>>, vector<1x16x2048xf32>
    %get3A_309 = vector.shape_cast %get3A_308 : vector<1x16x2048xf32> to vector<16x2048xf32>
    %get3A_310 = arith.constant 0 : index
    %get3A_311 = arith.constant 16 : index
    %get3A_312 = arith.constant 0 : index
    %get3A_313 = vector.load %arg2[%get3A_310, %get3A_311, %get3A_312] : memref<2x64x2048xf32, #tpu.memory_space<vmem>>, vector<1x16x2048xf32>
    %get3A_314 = vector.shape_cast %get3A_313 : vector<1x16x2048xf32> to vector<16x2048xf32>
    %get3A_315 = arith.constant 0 : index
    %get3A_316 = arith.constant 16 : index
    %get3A_317 = arith.constant 0 : index
    %get3A_318 = vector.load %arg3[%get3A_315, %get3A_316, %get3A_317] : memref<2x64x2048xf32, #tpu.memory_space<vmem>>, vector<1x16x2048xf32>
    %get3A_319 = vector.shape_cast %get3A_318 : vector<1x16x2048xf32> to vector<16x2048xf32>
    %dot_general3A_320 = arith.constant dense<0.000000e+00> : vector<16x16xf32>
    %dot_general3A_321 = tpu.matmul %convert_element_type3A_304, %get3A_314, %dot_general3A_320 {dimension_numbers = #tpu.dot_dimension_numbers<[1], [1], [0], [0], [0, 0, 1, 0], [], []>, transpose_lhs_hint = false} : vector<16x2048xf32>, vector<16x2048xf32>, vector<16x16xf32> -> vector<16x16xf32>
    %dot_general3A_322 = arith.constant dense<0.000000e+00> : vector<16x16xf32>
    %dot_general3A_323 = tpu.matmul %convert_element_type3A_304, %get3A_319, %dot_general3A_322 {dimension_numbers = #tpu.dot_dimension_numbers<[1], [1], [0], [0], [0, 0, 1, 0], [], []>, transpose_lhs_hint = false} : vector<16x2048xf32>, vector<16x2048xf32>, vector<16x16xf32> -> vector<16x16xf32>
    %slice3A_324 = vector.extract_strided_slice %tanh3A {offsets = [1, 0], sizes = [1, 16], strides = [1, 1]} : vector<8x16xf32> to vector<1x16xf32>
    %squeeze3A_325 = vector.shape_cast %slice3A_324 : vector<1x16xf32> to vector<16xf32>
    %broadcast_in_dim3A_326 = vector.shape_cast %squeeze3A_325 : vector<16xf32> to vector<16x1xf32>
    %broadcast_in_dim3A_327 = vector.shape_cast %broadcast_in_dim3A_326 : vector<16x1xf32> to vector<16x1xf32>
    %broadcast_in_dim3A_328 = vector.broadcast %broadcast_in_dim3A_327 : vector<16x1xf32> to vector<16x16xf32>
    %mul3A_329 = arith.mulf %dot_general3A_323, %broadcast_in_dim3A_328 : vector<16x16xf32>
    %dot_general3A_330 = arith.constant dense<0.000000e+00> : vector<16x2048xf32>
    %dot_general3A_331 = tpu.matmul %dot_general3A_321, %get3A_309, %dot_general3A_330 {dimension_numbers = #tpu.dot_dimension_numbers<[1], [0], [0], [1], [0, 0, 1, 1], [], []>, transpose_lhs_hint = false} : vector<16x16xf32>, vector<16x2048xf32>, vector<16x2048xf32> -> vector<16x2048xf32>
    %reduce_max3A_332 = arith.constant dense<0xFF800000> : vector<2048xf32>
    %reduce_max3A_333 = vector.multi_reduction <maximumf>, %dot_general3A_331, %reduce_max3A_332 [0] : vector<16x2048xf32> to vector<2048xf32>
    %broadcast_in_dim3A_334 = vector.shape_cast %reduce_max3A_333 : vector<2048xf32> to vector<1x2048xf32>
    %sub3A_335 = vector.broadcast %broadcast_in_dim3A_334 : vector<1x2048xf32> to vector<16x2048xf32>
    %sub3A_336 = arith.subf %dot_general3A_331, %sub3A_335 : vector<16x2048xf32>
    %exp3A_337 = math.exp %sub3A_336 : vector<16x2048xf32>
    %reduce_sum3A_338 = arith.constant dense<0.000000e+00> : vector<2048xf32>
    %reduce_sum3A_339 = vector.multi_reduction <add>, %exp3A_337, %reduce_sum3A_338 [0] : vector<16x2048xf32> to vector<2048xf32>
    %broadcast_in_dim3A_340 = vector.shape_cast %reduce_sum3A_339 : vector<2048xf32> to vector<1x2048xf32>
    %div3A_341 = vector.broadcast %broadcast_in_dim3A_340 : vector<1x2048xf32> to vector<16x2048xf32>
    %div3A_342 = arith.divf %exp3A_337, %div3A_341 : vector<16x2048xf32>
    %dot_general3A_343 = arith.constant dense<0.000000e+00> : vector<16x2048xf32>
    %dot_general3A_344 = tpu.matmul %mul3A_329, %div3A_342, %dot_general3A_343 {dimension_numbers = #tpu.dot_dimension_numbers<[0], [0], [1], [1], [0, 1, 1, 1], [], []>, transpose_lhs_hint = false} : vector<16x16xf32>, vector<16x2048xf32>, vector<16x2048xf32> -> vector<16x2048xf32>
    %swap3A_345 = arith.constant 0 : index
    %swap3A_346 = arith.constant 16 : index
    %swap3A_347 = arith.constant 0 : index
    %swap3A_348 = vector.load %arg4[%swap3A_345, %swap3A_346, %swap3A_347] : memref<2x64x2048xf32, #tpu.memory_space<vmem>>, vector<1x16x2048xf32>
    %swap3A_349 = vector.shape_cast %swap3A_348 : vector<1x16x2048xf32> to vector<16x2048xf32>
    %swap3A_350 = vector.shape_cast %dot_general3A_344 : vector<16x2048xf32> to vector<1x16x2048xf32>
    tpu.vector_store %arg4[%swap3A_345, %swap3A_346, %swap3A_347], %swap3A_350 {strides = array<i32>} : memref<2x64x2048xf32, #tpu.memory_space<vmem>>, vector<1x16x2048xf32>,
    %slice3A_351 = vector.extract_strided_slice %concatenate3A_249 {offsets = [2, 0], sizes = [1, 16], strides = [1, 1]} : vector<8x16xi32> to vector<1x16xi32>
    %squeeze3A_352 = vector.shape_cast %slice3A_351 : vector<1x16xi32> to vector<16xi32>
    %broadcast_in_dim3A_353 = vector.shape_cast %squeeze3A_352 : vector<16xi32> to vector<16x1xi32>
    %broadcast_in_dim3A_354 = vector.shape_cast %broadcast_in_dim3A_353 : vector<16x1xi32> to vector<16x1xi32>
    %broadcast_in_dim3A_355 = vector.broadcast %broadcast_in_dim3A_354 : vector<16x1xi32> to vector<16x2048xi32>
    %iota3A_356 = tpu.iota {dimensions = array<i32: 1>} : vector<16x2048xi32>
    %eq3A_357 = arith.cmpi eq, %broadcast_in_dim3A_355, %iota3A_356 : vector<16x2048xi32>
    %convert_element_type3A_358 = arith.extui %eq3A_357 : vector<16x2048xi1> to vector<16x2048xi32>
    %convert_element_type3A_359 = arith.sitofp %convert_element_type3A_358 : vector<16x2048xi32> to vector<16x2048xf32>
    %get3A_360 = arith.constant 0 : index
    %get3A_361 = arith.constant 32 : index
    %get3A_362 = arith.constant 0 : index
    %get3A_363 = vector.load %arg1[%get3A_360, %get3A_361, %get3A_362] : memref<2x64x2048xf32, #tpu.memory_space<vmem>>, vector<1x16x2048xf32>
    %get3A_364 = vector.shape_cast %get3A_363 : vector<1x16x2048xf32> to vector<16x2048xf32>
    %get3A_365 = arith.constant 0 : index
    %get3A_366 = arith.constant 32 : index
    %get3A_367 = arith.constant 0 : index
    %get3A_368 = vector.load %arg2[%get3A_365, %get3A_366, %get3A_367] : memref<2x64x2048xf32, #tpu.memory_space<vmem>>, vector<1x16x2048xf32>
    %get3A_369 = vector.shape_cast %get3A_368 : vector<1x16x2048xf32> to vector<16x2048xf32>
    %get3A_370 = arith.constant 0 : index
    %get3A_371 = arith.constant 32 : index
    %get3A_372 = arith.constant 0 : index
    %get3A_373 = vector.load %arg3[%get3A_370, %get3A_371, %get3A_372] : memref<2x64x2048xf32, #tpu.memory_space<vmem>>, vector<1x16x2048xf32>
    %get3A_374 = vector.shape_cast %get3A_373 : vector<1x16x2048xf32> to vector<16x2048xf32>
    %dot_general3A_375 = arith.constant dense<0.000000e+00> : vector<16x16xf32>
    %dot_general3A_376 = tpu.matmul %convert_element_type3A_359, %get3A_369, %dot_general3A_375 {dimension_numbers = #tpu.dot_dimension_numbers<[1], [1], [0], [0], [0, 0, 1, 0], [], []>, transpose_lhs_hint = false} : vector<16x2048xf32>, vector<16x2048xf32>, vector<16x16xf32> -> vector<16x16xf32>
    %dot_general3A_377 = arith.constant dense<0.000000e+00> : vector<16x16xf32>
    %dot_general3A_378 = tpu.matmul %convert_element_type3A_359, %get3A_374, %dot_general3A_377 {dimension_numbers = #tpu.dot_dimension_numbers<[1], [1], [0], [0], [0, 0, 1, 0], [], []>, transpose_lhs_hint = false} : vector<16x2048xf32>, vector<16x2048xf32>, vector<16x16xf32> -> vector<16x16xf32>
    %slice3A_379 = vector.extract_strided_slice %tanh3A {offsets = [2, 0], sizes = [1, 16], strides = [1, 1]} : vector<8x16xf32> to vector<1x16xf32>
    %squeeze3A_380 = vector.shape_cast %slice3A_379 : vector<1x16xf32> to vector<16xf32>
    %broadcast_in_dim3A_381 = vector.shape_cast %squeeze3A_380 : vector<16xf32> to vector<16x1xf32>
    %broadcast_in_dim3A_382 = vector.shape_cast %broadcast_in_dim3A_381 : vector<16x1xf32> to vector<16x1xf32>
    %broadcast_in_dim3A_383 = vector.broadcast %broadcast_in_dim3A_382 : vector<16x1xf32> to vector<16x16xf32>
    %mul3A_384 = arith.mulf %dot_general3A_378, %broadcast_in_dim3A_383 : vector<16x16xf32>
    %dot_general3A_385 = arith.constant dense<0.000000e+00> : vector<16x2048xf32>
    %dot_general3A_386 = tpu.matmul %dot_general3A_376, %get3A_364, %dot_general3A_385 {dimension_numbers = #tpu.dot_dimension_numbers<[1], [0], [0], [1], [0, 0, 1, 1], [], []>, transpose_lhs_hint = false} : vector<16x16xf32>, vector<16x2048xf32>, vector<16x2048xf32> -> vector<16x2048xf32>
    %reduce_max3A_387 = arith.constant dense<0xFF800000> : vector<2048xf32>
    %reduce_max3A_388 = vector.multi_reduction <maximumf>, %dot_general3A_386, %reduce_max3A_387 [0] : vector<16x2048xf32> to vector<2048xf32>
    %broadcast_in_dim3A_389 = vector.shape_cast %reduce_max3A_388 : vector<2048xf32> to vector<1x2048xf32>
    %sub3A_390 = vector.broadcast %broadcast_in_dim3A_389 : vector<1x2048xf32> to vector<16x2048xf32>
    %sub3A_391 = arith.subf %dot_general3A_386, %sub3A_390 : vector<16x2048xf32>
    %exp3A_392 = math.exp %sub3A_391 : vector<16x2048xf32>
    %reduce_sum3A_393 = arith.constant dense<0.000000e+00> : vector<2048xf32>
    %reduce_sum3A_394 = vector.multi_reduction <add>, %exp3A_392, %reduce_sum3A_393 [0] : vector<16x2048xf32> to vector<2048xf32>
    %broadcast_in_dim3A_395 = vector.shape_cast %reduce_sum3A_394 : vector<2048xf32> to vector<1x2048xf32>
    %div3A_396 = vector.broadcast %broadcast_in_dim3A_395 : vector<1x2048xf32> to vector<16x2048xf32>
    %div3A_397 = arith.divf %exp3A_392, %div3A_396 : vector<16x2048xf32>
    %dot_general3A_398 = arith.constant dense<0.000000e+00> : vector<16x2048xf32>
    %dot_general3A_399 = tpu.matmul %mul3A_384, %div3A_397, %dot_general3A_398 {dimension_numbers = #tpu.dot_dimension_numbers<[0], [0], [1], [1], [0, 1, 1, 1], [], []>, transpose_lhs_hint = false} : vector<16x16xf32>, vector<16x2048xf32>, vector<16x2048xf32> -> vector<16x2048xf32>
    %swap3A_400 = arith.constant 0 : index
    %swap3A_401 = arith.constant 32 : index
    %swap3A_402 = arith.constant 0 : index
    %swap3A_403 = vector.load %arg4[%swap3A_400, %swap3A_401, %swap3A_402] : memref<2x64x2048xf32, #tpu.memory_space<vmem>>, vector<1x16x2048xf32>
    %swap3A_404 = vector.shape_cast %swap3A_403 : vector<1x16x2048xf32> to vector<16x2048xf32>
    %swap3A_405 = vector.shape_cast %dot_general3A_399 : vector<16x2048xf32> to vector<1x16x2048xf32>
    tpu.vector_store %arg4[%swap3A_400, %swap3A_401, %swap3A_402], %swap3A_405 {strides = array<i32>} : memref<2x64x2048xf32, #tpu.memory_space<vmem>>, vector<1x16x2048xf32>,
    %slice3A_406 = vector.extract_strided_slice %concatenate3A_249 {offsets = [3, 0], sizes = [1, 16], strides = [1, 1]} : vector<8x16xi32> to vector<1x16xi32>
    %squeeze3A_407 = vector.shape_cast %slice3A_406 : vector<1x16xi32> to vector<16xi32>
    %broadcast_in_dim3A_408 = vector.shape_cast %squeeze3A_407 : vector<16xi32> to vector<16x1xi32>
    %broadcast_in_dim3A_409 = vector.shape_cast %broadcast_in_dim3A_408 : vector<16x1xi32> to vector<16x1xi32>
    %broadcast_in_dim3A_410 = vector.broadcast %broadcast_in_dim3A_409 : vector<16x1xi32> to vector<16x2048xi32>
    %iota3A_411 = tpu.iota {dimensions = array<i32: 1>} : vector<16x2048xi32>
    %eq3A_412 = arith.cmpi eq, %broadcast_in_dim3A_410, %iota3A_411 : vector<16x2048xi32>
    %convert_element_type3A_413 = arith.extui %eq3A_412 : vector<16x2048xi1> to vector<16x2048xi32>
    %convert_element_type3A_414 = arith.sitofp %convert_element_type3A_413 : vector<16x2048xi32> to vector<16x2048xf32>
    %get3A_415 = arith.constant 0 : index
    %get3A_416 = arith.constant 48 : index
    %get3A_417 = arith.constant 0 : index
    %get3A_418 = vector.load %arg1[%get3A_415, %get3A_416, %get3A_417] : memref<2x64x2048xf32, #tpu.memory_space<vmem>>, vector<1x16x2048xf32>
    %get3A_419 = vector.shape_cast %get3A_418 : vector<1x16x2048xf32> to vector<16x2048xf32>
    %get3A_420 = arith.constant 0 : index
    %get3A_421 = arith.constant 48 : index
    %get3A_422 = arith.constant 0 : index
    %get3A_423 = vector.load %arg2[%get3A_420, %get3A_421, %get3A_422] : memref<2x64x2048xf32, #tpu.memory_space<vmem>>, vector<1x16x2048xf32>
    %get3A_424 = vector.shape_cast %get3A_423 : vector<1x16x2048xf32> to vector<16x2048xf32>
    %get3A_425 = arith.constant 0 : index
    %get3A_426 = arith.constant 48 : index
    %get3A_427 = arith.constant 0 : index
    %get3A_428 = vector.load %arg3[%get3A_425, %get3A_426, %get3A_427] : memref<2x64x2048xf32, #tpu.memory_space<vmem>>, vector<1x16x2048xf32>
    %get3A_429 = vector.shape_cast %get3A_428 : vector<1x16x2048xf32> to vector<16x2048xf32>
    %dot_general3A_430 = arith.constant dense<0.000000e+00> : vector<16x16xf32>
    %dot_general3A_431 = tpu.matmul %convert_element_type3A_414, %get3A_424, %dot_general3A_430 {dimension_numbers = #tpu.dot_dimension_numbers<[1], [1], [0], [0], [0, 0, 1, 0], [], []>, transpose_lhs_hint = false} : vector<16x2048xf32>, vector<16x2048xf32>, vector<16x16xf32> -> vector<16x16xf32>
    %dot_general3A_432 = arith.constant dense<0.000000e+00> : vector<16x16xf32>
    %dot_general3A_433 = tpu.matmul %convert_element_type3A_414, %get3A_429, %dot_general3A_432 {dimension_numbers = #tpu.dot_dimension_numbers<[1], [1], [0], [0], [0, 0, 1, 0], [], []>, transpose_lhs_hint = false} : vector<16x2048xf32>, vector<16x2048xf32>, vector<16x16xf32> -> vector<16x16xf32>
    %slice3A_434 = vector.extract_strided_slice %tanh3A {offsets = [3, 0], sizes = [1, 16], strides = [1, 1]} : vector<8x16xf32> to vector<1x16xf32>
    %squeeze3A_435 = vector.shape_cast %slice3A_434 : vector<1x16xf32> to vector<16xf32>
    %broadcast_in_dim3A_436 = vector.shape_cast %squeeze3A_435 : vector<16xf32> to vector<16x1xf32>
    %broadcast_in_dim3A_437 = vector.shape_cast %broadcast_in_dim3A_436 : vector<16x1xf32> to vector<16x1xf32>
    %broadcast_in_dim3A_438 = vector.broadcast %broadcast_in_dim3A_437 : vector<16x1xf32> to vector<16x16xf32>
    %mul3A_439 = arith.mulf %dot_general3A_433, %broadcast_in_dim3A_438 : vector<16x16xf32>
    %dot_general3A_440 = arith.constant dense<0.000000e+00> : vector<16x2048xf32>
    %dot_general3A_441 = tpu.matmul %dot_general3A_431, %get3A_419, %dot_general3A_440 {dimension_numbers = #tpu.dot_dimension_numbers<[1], [0], [0], [1], [0, 0, 1, 1], [], []>, transpose_lhs_hint = false} : vector<16x16xf32>, vector<16x2048xf32>, vector<16x2048xf32> -> vector<16x2048xf32>
    %reduce_max3A_442 = arith.constant dense<0xFF800000> : vector<2048xf32>
    %reduce_max3A_443 = vector.multi_reduction <maximumf>, %dot_general3A_441, %reduce_max3A_442 [0] : vector<16x2048xf32> to vector<2048xf32>
    %broadcast_in_dim3A_444 = vector.shape_cast %reduce_max3A_443 : vector<2048xf32> to vector<1x2048xf32>
    %sub3A_445 = vector.broadcast %broadcast_in_dim3A_444 : vector<1x2048xf32> to vector<16x2048xf32>
    %sub3A_446 = arith.subf %dot_general3A_441, %sub3A_445 : vector<16x2048xf32>
    %exp3A_447 = math.exp %sub3A_446 : vector<16x2048xf32>
    %reduce_sum3A_448 = arith.constant dense<0.000000e+00> : vector<2048xf32>
    %reduce_sum3A_449 = vector.multi_reduction <add>, %exp3A_447, %reduce_sum3A_448 [0] : vector<16x2048xf32> to vector<2048xf32>
    %broadcast_in_dim3A_450 = vector.shape_cast %reduce_sum3A_449 : vector<2048xf32> to vector<1x2048xf32>
    %div3A_451 = vector.broadcast %broadcast_in_dim3A_450 : vector<1x2048xf32> to vector<16x2048xf32>
    %div3A_452 = arith.divf %exp3A_447, %div3A_451 : vector<16x2048xf32>
    %dot_general3A_453 = arith.constant dense<0.000000e+00> : vector<16x2048xf32>
    %dot_general3A_454 = tpu.matmul %mul3A_439, %div3A_452, %dot_general3A_453 {dimension_numbers = #tpu.dot_dimension_numbers<[0], [0], [1], [1], [0, 1, 1, 1], [], []>, transpose_lhs_hint = false} : vector<16x16xf32>, vector<16x2048xf32>, vector<16x2048xf32> -> vector<16x2048xf32>
    %swap3A_455 = arith.constant 0 : index
    %swap3A_456 = arith.constant 48 : index
    %swap3A_457 = arith.constant 0 : index
    %swap3A_458 = vector.load %arg4[%swap3A_455, %swap3A_456, %swap3A_457] : memref<2x64x2048xf32, #tpu.memory_space<vmem>>, vector<1x16x2048xf32>
    %swap3A_459 = vector.shape_cast %swap3A_458 : vector<1x16x2048xf32> to vector<16x2048xf32>
    %swap3A_460 = vector.shape_cast %dot_general3A_454 : vector<16x2048xf32> to vector<1x16x2048xf32>
    tpu.vector_store %arg4[%swap3A_455, %swap3A_456, %swap3A_457], %swap3A_460 {strides = array<i32>} : memref<2x64x2048xf32, #tpu.memory_space<vmem>>, vector<1x16x2048xf32>,
    %slice3A_461 = vector.extract_strided_slice %concatenate3A_249 {offsets = [4, 0], sizes = [1, 16], strides = [1, 1]} : vector<8x16xi32> to vector<1x16xi32>
    %squeeze3A_462 = vector.shape_cast %slice3A_461 : vector<1x16xi32> to vector<16xi32>
    %broadcast_in_dim3A_463 = vector.shape_cast %squeeze3A_462 : vector<16xi32> to vector<16x1xi32>
    %broadcast_in_dim3A_464 = vector.shape_cast %broadcast_in_dim3A_463 : vector<16x1xi32> to vector<16x1xi32>
    %broadcast_in_dim3A_465 = vector.broadcast %broadcast_in_dim3A_464 : vector<16x1xi32> to vector<16x2048xi32>
    %iota3A_466 = tpu.iota {dimensions = array<i32: 1>} : vector<16x2048xi32>
    %eq3A_467 = arith.cmpi eq, %broadcast_in_dim3A_465, %iota3A_466 : vector<16x2048xi32>
    %convert_element_type3A_468 = arith.extui %eq3A_467 : vector<16x2048xi1> to vector<16x2048xi32>
    %convert_element_type3A_469 = arith.sitofp %convert_element_type3A_468 : vector<16x2048xi32> to vector<16x2048xf32>
    %get3A_470 = arith.constant 1 : index
    %get3A_471 = arith.constant 0 : index
    %get3A_472 = arith.constant 0 : index
    %get3A_473 = vector.load %arg1[%get3A_470, %get3A_471, %get3A_472] : memref<2x64x2048xf32, #tpu.memory_space<vmem>>, vector<1x16x2048xf32>
    %get3A_474 = vector.shape_cast %get3A_473 : vector<1x16x2048xf32> to vector<16x2048xf32>
    %get3A_475 = arith.constant 1 : index
    %get3A_476 = arith.constant 0 : index
    %get3A_477 = arith.constant 0 : index
    %get3A_478 = vector.load %arg2[%get3A_475, %get3A_476, %get3A_477] : memref<2x64x2048xf32, #tpu.memory_space<vmem>>, vector<1x16x2048xf32>
    %get3A_479 = vector.shape_cast %get3A_478 : vector<1x16x2048xf32> to vector<16x2048xf32>
    %get3A_480 = arith.constant 1 : index
    %get3A_481 = arith.constant 0 : index
    %get3A_482 = arith.constant 0 : index
    %get3A_483 = vector.load %arg3[%get3A_480, %get3A_481, %get3A_482] : memref<2x64x2048xf32, #tpu.memory_space<vmem>>, vector<1x16x2048xf32>
    %get3A_484 = vector.shape_cast %get3A_483 : vector<1x16x2048xf32> to vector<16x2048xf32>
    %dot_general3A_485 = arith.constant dense<0.000000e+00> : vector<16x16xf32>
    %dot_general3A_486 = tpu.matmul %convert_element_type3A_469, %get3A_479, %dot_general3A_485 {dimension_numbers = #tpu.dot_dimension_numbers<[1], [1], [0], [0], [0, 0, 1, 0], [], []>, transpose_lhs_hint = false} : vector<16x2048xf32>, vector<16x2048xf32>, vector<16x16xf32> -> vector<16x16xf32>
    %dot_general3A_487 = arith.constant dense<0.000000e+00> : vector<16x16xf32>
    %dot_general3A_488 = tpu.matmul %convert_element_type3A_469, %get3A_484, %dot_general3A_487 {dimension_numbers = #tpu.dot_dimension_numbers<[1], [1], [0], [0], [0, 0, 1, 0], [], []>, transpose_lhs_hint = false} : vector<16x2048xf32>, vector<16x2048xf32>, vector<16x16xf32> -> vector<16x16xf32>
    %slice3A_489 = vector.extract_strided_slice %tanh3A {offsets = [4, 0], sizes = [1, 16], strides = [1, 1]} : vector<8x16xf32> to vector<1x16xf32>
    %squeeze3A_490 = vector.shape_cast %slice3A_489 : vector<1x16xf32> to vector<16xf32>
    %broadcast_in_dim3A_491 = vector.shape_cast %squeeze3A_490 : vector<16xf32> to vector<16x1xf32>
    %broadcast_in_dim3A_492 = vector.shape_cast %broadcast_in_dim3A_491 : vector<16x1xf32> to vector<16x1xf32>
    %broadcast_in_dim3A_493 = vector.broadcast %broadcast_in_dim3A_492 : vector<16x1xf32> to vector<16x16xf32>
    %mul3A_494 = arith.mulf %dot_general3A_488, %broadcast_in_dim3A_493 : vector<16x16xf32>
    %dot_general3A_495 = arith.constant dense<0.000000e+00> : vector<16x2048xf32>
    %dot_general3A_496 = tpu.matmul %dot_general3A_486, %get3A_474, %dot_general3A_495 {dimension_numbers = #tpu.dot_dimension_numbers<[1], [0], [0], [1], [0, 0, 1, 1], [], []>, transpose_lhs_hint = false} : vector<16x16xf32>, vector<16x2048xf32>, vector<16x2048xf32> -> vector<16x2048xf32>
    %reduce_max3A_497 = arith.constant dense<0xFF800000> : vector<2048xf32>
    %reduce_max3A_498 = vector.multi_reduction <maximumf>, %dot_general3A_496, %reduce_max3A_497 [0] : vector<16x2048xf32> to vector<2048xf32>
    %broadcast_in_dim3A_499 = vector.shape_cast %reduce_max3A_498 : vector<2048xf32> to vector<1x2048xf32>
    %sub3A_500 = vector.broadcast %broadcast_in_dim3A_499 : vector<1x2048xf32> to vector<16x2048xf32>
    %sub3A_501 = arith.subf %dot_general3A_496, %sub3A_500 : vector<16x2048xf32>
    %exp3A_502 = math.exp %sub3A_501 : vector<16x2048xf32>
    %reduce_sum3A_503 = arith.constant dense<0.000000e+00> : vector<2048xf32>
    %reduce_sum3A_504 = vector.multi_reduction <add>, %exp3A_502, %reduce_sum3A_503 [0] : vector<16x2048xf32> to vector<2048xf32>
    %broadcast_in_dim3A_505 = vector.shape_cast %reduce_sum3A_504 : vector<2048xf32> to vector<1x2048xf32>
    %div3A_506 = vector.broadcast %broadcast_in_dim3A_505 : vector<1x2048xf32> to vector<16x2048xf32>
    %div3A_507 = arith.divf %exp3A_502, %div3A_506 : vector<16x2048xf32>
    %dot_general3A_508 = arith.constant dense<0.000000e+00> : vector<16x2048xf32>
    %dot_general3A_509 = tpu.matmul %mul3A_494, %div3A_507, %dot_general3A_508 {dimension_numbers = #tpu.dot_dimension_numbers<[0], [0], [1], [1], [0, 1, 1, 1], [], []>, transpose_lhs_hint = false} : vector<16x16xf32>, vector<16x2048xf32>, vector<16x2048xf32> -> vector<16x2048xf32>
    %swap3A_510 = arith.constant 1 : index
    %swap3A_511 = arith.constant 0 : index
    %swap3A_512 = arith.constant 0 : index
    %swap3A_513 = vector.load %arg4[%swap3A_510, %swap3A_511, %swap3A_512] : memref<2x64x2048xf32, #tpu.memory_space<vmem>>, vector<1x16x2048xf32>
    %swap3A_514 = vector.shape_cast %swap3A_513 : vector<1x16x2048xf32> to vector<16x2048xf32>
    %swap3A_515 = vector.shape_cast %dot_general3A_509 : vector<16x2048xf32> to vector<1x16x2048xf32>
    tpu.vector_store %arg4[%swap3A_510, %swap3A_511, %swap3A_512], %swap3A_515 {strides = array<i32>} : memref<2x64x2048xf32, #tpu.memory_space<vmem>>, vector<1x16x2048xf32>,
    %slice3A_516 = vector.extract_strided_slice %concatenate3A_249 {offsets = [5, 0], sizes = [1, 16], strides = [1, 1]} : vector<8x16xi32> to vector<1x16xi32>
    %squeeze3A_517 = vector.shape_cast %slice3A_516 : vector<1x16xi32> to vector<16xi32>
    %broadcast_in_dim3A_518 = vector.shape_cast %squeeze3A_517 : vector<16xi32> to vector<16x1xi32>
    %broadcast_in_dim3A_519 = vector.shape_cast %broadcast_in_dim3A_518 : vector<16x1xi32> to vector<16x1xi32>
    %broadcast_in_dim3A_520 = vector.broadcast %broadcast_in_dim3A_519 : vector<16x1xi32> to vector<16x2048xi32>
    %iota3A_521 = tpu.iota {dimensions = array<i32: 1>} : vector<16x2048xi32>
    %eq3A_522 = arith.cmpi eq, %broadcast_in_dim3A_520, %iota3A_521 : vector<16x2048xi32>
    %convert_element_type3A_523 = arith.extui %eq3A_522 : vector<16x2048xi1> to vector<16x2048xi32>
    %convert_element_type3A_524 = arith.sitofp %convert_element_type3A_523 : vector<16x2048xi32> to vector<16x2048xf32>
    %get3A_525 = arith.constant 1 : index
    %get3A_526 = arith.constant 16 : index
    %get3A_527 = arith.constant 0 : index
    %get3A_528 = vector.load %arg1[%get3A_525, %get3A_526, %get3A_527] : memref<2x64x2048xf32, #tpu.memory_space<vmem>>, vector<1x16x2048xf32>
    %get3A_529 = vector.shape_cast %get3A_528 : vector<1x16x2048xf32> to vector<16x2048xf32>
    %get3A_530 = arith.constant 1 : index
    %get3A_531 = arith.constant 16 : index
    %get3A_532 = arith.constant 0 : index
    %get3A_533 = vector.load %arg2[%get3A_530, %get3A_531, %get3A_532] : memref<2x64x2048xf32, #tpu.memory_space<vmem>>, vector<1x16x2048xf32>
    %get3A_534 = vector.shape_cast %get3A_533 : vector<1x16x2048xf32> to vector<16x2048xf32>
    %get3A_535 = arith.constant 1 : index
    %get3A_536 = arith.constant 16 : index
    %get3A_537 = arith.constant 0 : index
    %get3A_538 = vector.load %arg3[%get3A_535, %get3A_536, %get3A_537] : memref<2x64x2048xf32, #tpu.memory_space<vmem>>, vector<1x16x2048xf32>
    %get3A_539 = vector.shape_cast %get3A_538 : vector<1x16x2048xf32> to vector<16x2048xf32>
    %dot_general3A_540 = arith.constant dense<0.000000e+00> : vector<16x16xf32>
    %dot_general3A_541 = tpu.matmul %convert_element_type3A_524, %get3A_534, %dot_general3A_540 {dimension_numbers = #tpu.dot_dimension_numbers<[1], [1], [0], [0], [0, 0, 1, 0], [], []>, transpose_lhs_hint = false} : vector<16x2048xf32>, vector<16x2048xf32>, vector<16x16xf32> -> vector<16x16xf32>
    %dot_general3A_542 = arith.constant dense<0.000000e+00> : vector<16x16xf32>
    %dot_general3A_543 = tpu.matmul %convert_element_type3A_524, %get3A_539, %dot_general3A_542 {dimension_numbers = #tpu.dot_dimension_numbers<[1], [1], [0], [0], [0, 0, 1, 0], [], []>, transpose_lhs_hint = false} : vector<16x2048xf32>, vector<16x2048xf32>, vector<16x16xf32> -> vector<16x16xf32>
    %slice3A_544 = vector.extract_strided_slice %tanh3A {offsets = [5, 0], sizes = [1, 16], strides = [1, 1]} : vector<8x16xf32> to vector<1x16xf32>
    %squeeze3A_545 = vector.shape_cast %slice3A_544 : vector<1x16xf32> to vector<16xf32>
    %broadcast_in_dim3A_546 = vector.shape_cast %squeeze3A_545 : vector<16xf32> to vector<16x1xf32>
    %broadcast_in_dim3A_547 = vector.shape_cast %broadcast_in_dim3A_546 : vector<16x1xf32> to vector<16x1xf32>
    %broadcast_in_dim3A_548 = vector.broadcast %broadcast_in_dim3A_547 : vector<16x1xf32> to vector<16x16xf32>
    %mul3A_549 = arith.mulf %dot_general3A_543, %broadcast_in_dim3A_548 : vector<16x16xf32>
    %dot_general3A_550 = arith.constant dense<0.000000e+00> : vector<16x2048xf32>
    %dot_general3A_551 = tpu.matmul %dot_general3A_541, %get3A_529, %dot_general3A_550 {dimension_numbers = #tpu.dot_dimension_numbers<[1], [0], [0], [1], [0, 0, 1, 1], [], []>, transpose_lhs_hint = false} : vector<16x16xf32>, vector<16x2048xf32>, vector<16x2048xf32> -> vector<16x2048xf32>
    %reduce_max3A_552 = arith.constant dense<0xFF800000> : vector<2048xf32>
    %reduce_max3A_553 = vector.multi_reduction <maximumf>, %dot_general3A_551, %reduce_max3A_552 [0] : vector<16x2048xf32> to vector<2048xf32>
    %broadcast_in_dim3A_554 = vector.shape_cast %reduce_max3A_553 : vector<2048xf32> to vector<1x2048xf32>
    %sub3A_555 = vector.broadcast %broadcast_in_dim3A_554 : vector<1x2048xf32> to vector<16x2048xf32>
    %sub3A_556 = arith.subf %dot_general3A_551, %sub3A_555 : vector<16x2048xf32>
    %exp3A_557 = math.exp %sub3A_556 : vector<16x2048xf32>
    %reduce_sum3A_558 = arith.constant dense<0.000000e+00> : vector<2048xf32>
    %reduce_sum3A_559 = vector.multi_reduction <add>, %exp3A_557, %reduce_sum3A_558 [0] : vector<16x2048xf32> to vector<2048xf32>
    %broadcast_in_dim3A_560 = vector.shape_cast %reduce_sum3A_559 : vector<2048xf32> to vector<1x2048xf32>
    %div3A_561 = vector.broadcast %broadcast_in_dim3A_560 : vector<1x2048xf32> to vector<16x2048xf32>
    %div3A_562 = arith.divf %exp3A_557, %div3A_561 : vector<16x2048xf32>
    %dot_general3A_563 = arith.constant dense<0.000000e+00> : vector<16x2048xf32>
    %dot_general3A_564 = tpu.matmul %mul3A_549, %div3A_562, %dot_general3A_563 {dimension_numbers = #tpu.dot_dimension_numbers<[0], [0], [1], [1], [0, 1, 1, 1], [], []>, transpose_lhs_hint = false} : vector<16x16xf32>, vector<16x2048xf32>, vector<16x2048xf32> -> vector<16x2048xf32>
    %swap3A_565 = arith.constant 1 : index
    %swap3A_566 = arith.constant 16 : index
    %swap3A_567 = arith.constant 0 : index
    %swap3A_568 = vector.load %arg4[%swap3A_565, %swap3A_566, %swap3A_567] : memref<2x64x2048xf32, #tpu.memory_space<vmem>>, vector<1x16x2048xf32>
    %swap3A_569 = vector.shape_cast %swap3A_568 : vector<1x16x2048xf32> to vector<16x2048xf32>
    %swap3A_570 = vector.shape_cast %dot_general3A_564 : vector<16x2048xf32> to vector<1x16x2048xf32>
    tpu.vector_store %arg4[%swap3A_565, %swap3A_566, %swap3A_567], %swap3A_570 {strides = array<i32>} : memref<2x64x2048xf32, #tpu.memory_space<vmem>>, vector<1x16x2048xf32>,
    %slice3A_571 = vector.extract_strided_slice %concatenate3A_249 {offsets = [6, 0], sizes = [1, 16], strides = [1, 1]} : vector<8x16xi32> to vector<1x16xi32>
    %squeeze3A_572 = vector.shape_cast %slice3A_571 : vector<1x16xi32> to vector<16xi32>
    %broadcast_in_dim3A_573 = vector.shape_cast %squeeze3A_572 : vector<16xi32> to vector<16x1xi32>
    %broadcast_in_dim3A_574 = vector.shape_cast %broadcast_in_dim3A_573 : vector<16x1xi32> to vector<16x1xi32>
    %broadcast_in_dim3A_575 = vector.broadcast %broadcast_in_dim3A_574 : vector<16x1xi32> to vector<16x2048xi32>
    %iota3A_576 = tpu.iota {dimensions = array<i32: 1>} : vector<16x2048xi32>
    %eq3A_577 = arith.cmpi eq, %broadcast_in_dim3A_575, %iota3A_576 : vector<16x2048xi32>
    %convert_element_type3A_578 = arith.extui %eq3A_577 : vector<16x2048xi1> to vector<16x2048xi32>
    %convert_element_type3A_579 = arith.sitofp %convert_element_type3A_578 : vector<16x2048xi32> to vector<16x2048xf32>
    %get3A_580 = arith.constant 1 : index
    %get3A_581 = arith.constant 32 : index
    %get3A_582 = arith.constant 0 : index
    %get3A_583 = vector.load %arg1[%get3A_580, %get3A_581, %get3A_582] : memref<2x64x2048xf32, #tpu.memory_space<vmem>>, vector<1x16x2048xf32>
    %get3A_584 = vector.shape_cast %get3A_583 : vector<1x16x2048xf32> to vector<16x2048xf32>
    %get3A_585 = arith.constant 1 : index
    %get3A_586 = arith.constant 32 : index
    %get3A_587 = arith.constant 0 : index
    %get3A_588 = vector.load %arg2[%get3A_585, %get3A_586, %get3A_587] : memref<2x64x2048xf32, #tpu.memory_space<vmem>>, vector<1x16x2048xf32>
    %get3A_589 = vector.shape_cast %get3A_588 : vector<1x16x2048xf32> to vector<16x2048xf32>
    %get3A_590 = arith.constant 1 : index
    %get3A_591 = arith.constant 32 : index
    %get3A_592 = arith.constant 0 : index
    %get3A_593 = vector.load %arg3[%get3A_590, %get3A_591, %get3A_592] : memref<2x64x2048xf32, #tpu.memory_space<vmem>>, vector<1x16x2048xf32>
    %get3A_594 = vector.shape_cast %get3A_593 : vector<1x16x2048xf32> to vector<16x2048xf32>
    %dot_general3A_595 = arith.constant dense<0.000000e+00> : vector<16x16xf32>
    %dot_general3A_596 = tpu.matmul %convert_element_type3A_579, %get3A_589, %dot_general3A_595 {dimension_numbers = #tpu.dot_dimension_numbers<[1], [1], [0], [0], [0, 0, 1, 0], [], []>, transpose_lhs_hint = false} : vector<16x2048xf32>, vector<16x2048xf32>, vector<16x16xf32> -> vector<16x16xf32>
    %dot_general3A_597 = arith.constant dense<0.000000e+00> : vector<16x16xf32>
    %dot_general3A_598 = tpu.matmul %convert_element_type3A_579, %get3A_594, %dot_general3A_597 {dimension_numbers = #tpu.dot_dimension_numbers<[1], [1], [0], [0], [0, 0, 1, 0], [], []>, transpose_lhs_hint = false} : vector<16x2048xf32>, vector<16x2048xf32>, vector<16x16xf32> -> vector<16x16xf32>
    %slice3A_599 = vector.extract_strided_slice %tanh3A {offsets = [6, 0], sizes = [1, 16], strides = [1, 1]} : vector<8x16xf32> to vector<1x16xf32>
    %squeeze3A_600 = vector.shape_cast %slice3A_599 : vector<1x16xf32> to vector<16xf32>
    %broadcast_in_dim3A_601 = vector.shape_cast %squeeze3A_600 : vector<16xf32> to vector<16x1xf32>
    %broadcast_in_dim3A_602 = vector.shape_cast %broadcast_in_dim3A_601 : vector<16x1xf32> to vector<16x1xf32>
    %broadcast_in_dim3A_603 = vector.broadcast %broadcast_in_dim3A_602 : vector<16x1xf32> to vector<16x16xf32>
    %mul3A_604 = arith.mulf %dot_general3A_598, %broadcast_in_dim3A_603 : vector<16x16xf32>
    %dot_general3A_605 = arith.constant dense<0.000000e+00> : vector<16x2048xf32>
    %dot_general3A_606 = tpu.matmul %dot_general3A_596, %get3A_584, %dot_general3A_605 {dimension_numbers = #tpu.dot_dimension_numbers<[1], [0], [0], [1], [0, 0, 1, 1], [], []>, transpose_lhs_hint = false} : vector<16x16xf32>, vector<16x2048xf32>, vector<16x2048xf32> -> vector<16x2048xf32>
    %reduce_max3A_607 = arith.constant dense<0xFF800000> : vector<2048xf32>
    %reduce_max3A_608 = vector.multi_reduction <maximumf>, %dot_general3A_606, %reduce_max3A_607 [0] : vector<16x2048xf32> to vector<2048xf32>
    %broadcast_in_dim3A_609 = vector.shape_cast %reduce_max3A_608 : vector<2048xf32> to vector<1x2048xf32>
    %sub3A_610 = vector.broadcast %broadcast_in_dim3A_609 : vector<1x2048xf32> to vector<16x2048xf32>
    %sub3A_611 = arith.subf %dot_general3A_606, %sub3A_610 : vector<16x2048xf32>
    %exp3A_612 = math.exp %sub3A_611 : vector<16x2048xf32>
    %reduce_sum3A_613 = arith.constant dense<0.000000e+00> : vector<2048xf32>
    %reduce_sum3A_614 = vector.multi_reduction <add>, %exp3A_612, %reduce_sum3A_613 [0] : vector<16x2048xf32> to vector<2048xf32>
    %broadcast_in_dim3A_615 = vector.shape_cast %reduce_sum3A_614 : vector<2048xf32> to vector<1x2048xf32>
    %div3A_616 = vector.broadcast %broadcast_in_dim3A_615 : vector<1x2048xf32> to vector<16x2048xf32>
    %div3A_617 = arith.divf %exp3A_612, %div3A_616 : vector<16x2048xf32>
    %dot_general3A_618 = arith.constant dense<0.000000e+00> : vector<16x2048xf32>
    %dot_general3A_619 = tpu.matmul %mul3A_604, %div3A_617, %dot_general3A_618 {dimension_numbers = #tpu.dot_dimension_numbers<[0], [0], [1], [1], [0, 1, 1, 1], [], []>, transpose_lhs_hint = false} : vector<16x16xf32>, vector<16x2048xf32>, vector<16x2048xf32> -> vector<16x2048xf32>
    %swap3A_620 = arith.constant 1 : index
    %swap3A_621 = arith.constant 32 : index
    %swap3A_622 = arith.constant 0 : index
    %swap3A_623 = vector.load %arg4[%swap3A_620, %swap3A_621, %swap3A_622] : memref<2x64x2048xf32, #tpu.memory_space<vmem>>, vector<1x16x2048xf32>
    %swap3A_624 = vector.shape_cast %swap3A_623 : vector<1x16x2048xf32> to vector<16x2048xf32>
    %swap3A_625 = vector.shape_cast %dot_general3A_619 : vector<16x2048xf32> to vector<1x16x2048xf32>
    tpu.vector_store %arg4[%swap3A_620, %swap3A_621, %swap3A_622], %swap3A_625 {strides = array<i32>} : memref<2x64x2048xf32, #tpu.memory_space<vmem>>, vector<1x16x2048xf32>,
    %slice3A_626 = vector.extract_strided_slice %concatenate3A_249 {offsets = [7, 0], sizes = [1, 16], strides = [1, 1]} : vector<8x16xi32> to vector<1x16xi32>
    %squeeze3A_627 = vector.shape_cast %slice3A_626 : vector<1x16xi32> to vector<16xi32>
    %broadcast_in_dim3A_628 = vector.shape_cast %squeeze3A_627 : vector<16xi32> to vector<16x1xi32>
    %broadcast_in_dim3A_629 = vector.shape_cast %broadcast_in_dim3A_628 : vector<16x1xi32> to vector<16x1xi32>
    %broadcast_in_dim3A_630 = vector.broadcast %broadcast_in_dim3A_629 : vector<16x1xi32> to vector<16x2048xi32>
    %iota3A_631 = tpu.iota {dimensions = array<i32: 1>} : vector<16x2048xi32>
    %eq3A_632 = arith.cmpi eq, %broadcast_in_dim3A_630, %iota3A_631 : vector<16x2048xi32>
    %convert_element_type3A_633 = arith.extui %eq3A_632 : vector<16x2048xi1> to vector<16x2048xi32>
    %convert_element_type3A_634 = arith.sitofp %convert_element_type3A_633 : vector<16x2048xi32> to vector<16x2048xf32>
    %get3A_635 = arith.constant 1 : index
    %get3A_636 = arith.constant 48 : index
    %get3A_637 = arith.constant 0 : index
    %get3A_638 = vector.load %arg1[%get3A_635, %get3A_636, %get3A_637] : memref<2x64x2048xf32, #tpu.memory_space<vmem>>, vector<1x16x2048xf32>
    %get3A_639 = vector.shape_cast %get3A_638 : vector<1x16x2048xf32> to vector<16x2048xf32>
    %get3A_640 = arith.constant 1 : index
    %get3A_641 = arith.constant 48 : index
    %get3A_642 = arith.constant 0 : index
    %get3A_643 = vector.load %arg2[%get3A_640, %get3A_641, %get3A_642] : memref<2x64x2048xf32, #tpu.memory_space<vmem>>, vector<1x16x2048xf32>
    %get3A_644 = vector.shape_cast %get3A_643 : vector<1x16x2048xf32> to vector<16x2048xf32>
    %get3A_645 = arith.constant 1 : index
    %get3A_646 = arith.constant 48 : index
    %get3A_647 = arith.constant 0 : index
    %get3A_648 = vector.load %arg3[%get3A_645, %get3A_646, %get3A_647] : memref<2x64x2048xf32, #tpu.memory_space<vmem>>, vector<1x16x2048xf32>
    %get3A_649 = vector.shape_cast %get3A_648 : vector<1x16x2048xf32> to vector<16x2048xf32>
    %dot_general3A_650 = arith.constant dense<0.000000e+00> : vector<16x16xf32>
    %dot_general3A_651 = tpu.matmul %convert_element_type3A_634, %get3A_644, %dot_general3A_650 {dimension_numbers = #tpu.dot_dimension_numbers<[1], [1], [0], [0], [0, 0, 1, 0], [], []>, transpose_lhs_hint = false} : vector<16x2048xf32>, vector<16x2048xf32>, vector<16x16xf32> -> vector<16x16xf32>
    %dot_general3A_652 = arith.constant dense<0.000000e+00> : vector<16x16xf32>
    %dot_general3A_653 = tpu.matmul %convert_element_type3A_634, %get3A_649, %dot_general3A_652 {dimension_numbers = #tpu.dot_dimension_numbers<[1], [1], [0], [0], [0, 0, 1, 0], [], []>, transpose_lhs_hint = false} : vector<16x2048xf32>, vector<16x2048xf32>, vector<16x16xf32> -> vector<16x16xf32>
    %slice3A_654 = vector.extract_strided_slice %tanh3A {offsets = [7, 0], sizes = [1, 16], strides = [1, 1]} : vector<8x16xf32> to vector<1x16xf32>
    %squeeze3A_655 = vector.shape_cast %slice3A_654 : vector<1x16xf32> to vector<16xf32>
    %broadcast_in_dim3A_656 = vector.shape_cast %squeeze3A_655 : vector<16xf32> to vector<16x1xf32>
    %broadcast_in_dim3A_657 = vector.shape_cast %broadcast_in_dim3A_656 : vector<16x1xf32> to vector<16x1xf32>
    %broadcast_in_dim3A_658 = vector.broadcast %broadcast_in_dim3A_657 : vector<16x1xf32> to vector<16x16xf32>
    %mul3A_659 = arith.mulf %dot_general3A_653, %broadcast_in_dim3A_658 : vector<16x16xf32>
    %dot_general3A_660 = arith.constant dense<0.000000e+00> : vector<16x2048xf32>
    %dot_general3A_661 = tpu.matmul %dot_general3A_651, %get3A_639, %dot_general3A_660 {dimension_numbers = #tpu.dot_dimension_numbers<[1], [0], [0], [1], [0, 0, 1, 1], [], []>, transpose_lhs_hint = false} : vector<16x16xf32>, vector<16x2048xf32>, vector<16x2048xf32> -> vector<16x2048xf32>
    %reduce_max3A_662 = arith.constant dense<0xFF800000> : vector<2048xf32>
    %reduce_max3A_663 = vector.multi_reduction <maximumf>, %dot_general3A_661, %reduce_max3A_662 [0] : vector<16x2048xf32> to vector<2048xf32>
    %broadcast_in_dim3A_664 = vector.shape_cast %reduce_max3A_663 : vector<2048xf32> to vector<1x2048xf32>
    %sub3A_665 = vector.broadcast %broadcast_in_dim3A_664 : vector<1x2048xf32> to vector<16x2048xf32>
    %sub3A_666 = arith.subf %dot_general3A_661, %sub3A_665 : vector<16x2048xf32>
    %exp3A_667 = math.exp %sub3A_666 : vector<16x2048xf32>
    %reduce_sum3A_668 = arith.constant dense<0.000000e+00> : vector<2048xf32>
    %reduce_sum3A_669 = vector.multi_reduction <add>, %exp3A_667, %reduce_sum3A_668 [0] : vector<16x2048xf32> to vector<2048xf32>
    %broadcast_in_dim3A_670 = vector.shape_cast %reduce_sum3A_669 : vector<2048xf32> to vector<1x2048xf32>
    %div3A_671 = vector.broadcast %broadcast_in_dim3A_670 : vector<1x2048xf32> to vector<16x2048xf32>
    %div3A_672 = arith.divf %exp3A_667, %div3A_671 : vector<16x2048xf32>
    %dot_general3A_673 = arith.constant dense<0.000000e+00> : vector<16x2048xf32>
    %dot_general3A_674 = tpu.matmul %mul3A_659, %div3A_672, %dot_general3A_673 {dimension_numbers = #tpu.dot_dimension_numbers<[0], [0], [1], [1], [0, 1, 1, 1], [], []>, transpose_lhs_hint = false} : vector<16x16xf32>, vector<16x2048xf32>, vector<16x2048xf32> -> vector<16x2048xf32>
    %swap3A_675 = arith.constant 1 : index
    %swap3A_676 = arith.constant 48 : index
    %swap3A_677 = arith.constant 0 : index
    %swap3A_678 = vector.load %arg4[%swap3A_675, %swap3A_676, %swap3A_677] : memref<2x64x2048xf32, #tpu.memory_space<vmem>>, vector<1x16x2048xf32>
    %swap3A_679 = vector.shape_cast %swap3A_678 : vector<1x16x2048xf32> to vector<16x2048xf32>
    %swap3A_680 = vector.shape_cast %dot_general3A_674 : vector<16x2048xf32> to vector<1x16x2048xf32>
    tpu.vector_store %arg4[%swap3A_675, %swap3A_676, %swap3A_677], %swap3A_680 {strides = array<i32>} : memref<2x64x2048xf32, #tpu.memory_space<vmem>>, vector<1x16x2048xf32>,
    return
  }
}

</mosaic_0001>

<sc_bundles>
// kernel: kernel.5.cloned.1.call-start
scs
__scs_entry_jumppad:
0x0: {  	(pc) =	sbr.rel $0x88, $3  }
0x1: {  	(tag) =	ssettag $0x0;
	lr =	simm.s32 $0x1  }
0x2: {  	[smem:$0x3F98] =	sst lr;
	_ =	strace $0xD0000000  }
0x3: {  	_ = 	snop  }
0x4: {  	_ = 	snop  }
0x5: {  	_ = 	snop  }
0x6: {  	_ = 	snop  }
0x7: {  	_ = 	snop  }
__scs_overlays_trampoline_lowered:
0x8: {  	[smem:$0x3FA7] =	sst s0  }
0x9: {  	[smem:$0x3FA8] =	sst s1  }
0xa: {  	[smem:$0x3FA9] =	sst s2  }
0xb: {  	[smem:$0x3FAA] =	sst s3  }
0xc: {  	[smem:$0x3FAB] =	sst s4  }
0xd: {  	[smem:$0x3FAC] =	sst s5  }
0xe: {  	[smem:$0x3FAD] =	sst s6  }
0xf: {  	[smem:$0x3FAE] =	sst s7  }
0x10: {  	[smem:$0x3FAF] =	sst s8  }
0x11: {  	[smem:$0x3FB0] =	sst s9;
	s0 =	simm.s32 @!p0 $0x0  }
0x12: {  	s1 =	sld [smem:$0x3F96];
	s0 =	simm.s32 @p0 $0x1  }
0x13: {  	[smem:$0x3FB1] =	sst s0;
	s0 =	simm.s32 @!p1 $0x0  }
0x14: {  	s2 =	sld [smem:$0x3F95];
	s0 =	simm.s32 @p1 $0x1  }
0x15: {  	[smem:$0x3FB2] =	sst s0;
	s0 =	simm.s32 @!p2 $0x0  }
0x16: {  	s3 =	sld [smem:$0x3FDB];
	s0 =	simm.s32 @p2 $0x1  }
0x17: {  	s4 =	simm.s32 $0x1BF5;
	[smem:$0x3FB4] =	sst s0  }
0x18: {  	s0 =	sld [smem:$0x3F97];
	_ =	swait.ge [sflag:s4], $0x0  }
0x19: {  	s7 =	sld [smem:$0x3F98]  }
0x1a: {  	s8 =	sadd.s32 $0xFFFFE003, lr  }
0x1b: {  	s9 =	sadd.s32 $0xFFFFFEF7, lr;
	s5 =	simm.s32 $0xFFFFFFFF;
	p2 =	slt.u32 s8, $0xFFFFF086  }
0x1c: {  	p1 =	slt.u32 s9, $0xF7A;
	s5 =	simm.s32 @!p2 $0x0  }
0x1d: {  	s5 =	simm.s32 @p1 $0x1;
	p0 =	seq.s32 s7, s2  }
0x1e: {  	s7 =	smul.u32 @!p0 $0xF7A, s2;
	p2 =	seq.s32 @!p0 s5, $0x0  }
0x1f: {  	s9 =	smul.u32 $0xF7A, s1;
	s8 =	simm.s32 @!p0 $0x1BF5;
	p2 =	por !p2, p0  }
0x20: {  	[sflag:s8] =	ssyncset.s32 @!p0 $0xFFFFF086;
	s6 =	sadd.s32 @!p0 s3, s7;
	s7 =	simm.s32 @!p0 $0x108  }
0x21: {  	s3 =	sadd.s32 s3, s9;
	s6 =	sadd.s32 @!p0 $0x88, s6;
	s7 =	simm.s32 @p2 $0x1082  }
0x22: {  	[simem:s7], [sflag:s8] =	dma.local @!p0 [hbm:s6], $0xF7A  }
0x23: {  	s9 =	sor.u32 $0xD0000000, s2;
	s6 =	simm.s32 $0x108;
	_ =	swait.ge @!p0 [sflag:s8], $0x0  }
0x24: {  	s3 =	sadd.s32 $0x88, s3;
	s6 =	simm.s32 @!p1 $0x1082;
	[sflag:s4] =	ssyncset.s32 $0xFFFFF086  }
0x25: {  	[simem:s6], [sflag:s4] =	dma.local [hbm:s3], $0xF7A  }
0x26: {  	[smem:$0x3F98] =	sst s1;
	(tag) =	ssettag s2;
	_ =	strace s9  }
0x27: {  	s1 =	sld [smem:$0x3FA8]  }
0x28: {  	s2 =	sld [smem:$0x3FA9]  }
0x29: {  	s4 =	sld [smem:$0x3FAB]  }
0x2a: {  	p0 =	seq.s32 s5, $0x0;
	s5 =	sld [smem:$0x3FAC]  }
0x2b: {  	s6 =	sld [smem:$0x3FAD]  }
0x2c: {  	s7 =	sld [smem:$0x3FAE]  }
0x2d: {  	s3 =	simm.s32 $0x108;
	s8 =	sld [smem:$0x3FAF]  }
0x2e: {  	s3 =	simm.s32 @!p0 $0x1082;
	s9 =	sld [smem:$0x3FB0]  }
0x2f: {  	lr =	sadd.s32 s0, s3;
	s0 =	sld [smem:$0x3FA7]  }
0x30: {  	s3 =	sld [smem:$0x3FAA]  }
0x31: {  	[smem:$0x3FB3] =	sst s10  }
0x32: {  	s10 =	sld [smem:$0x3FB1];
	_ =	sdelay $0x3  }
0x33: {  	p0 =	seq.s32 s10, $0x1;
	s10 =	sld [smem:$0x3FB3];
	_ =	sdelay $0x3  }
0x34: {  	[smem:$0x3FB3] =	sst s10  }
0x35: {  	s10 =	sld [smem:$0x3FB2];
	_ =	sdelay $0x3  }
0x36: {  	p1 =	seq.s32 s10, $0x1;
	s10 =	sld [smem:$0x3FB3];
	_ =	sdelay $0x3  }
0x37: {  	[smem:$0x3FB3] =	sst s10  }
0x38: {  	s10 =	sld [smem:$0x3FB4]  }
0x39: {  	_ = 	snop;
	(pc) =	sbr.ind lr, $3  }
0x3a: {  	_ = 	snop  }
0x3b: {  	_ = 	snop  }
0x3c: {  	p2 =	seq.s32 s10, $0x1;
	s10 =	sld [smem:$0x3FB3]  }
0x3d: {  	_ =	shalt  }
0x3e: {  	_ =	shalt  }
0x3f: {  	_ =	shalt  }
0x40: {  	_ =	shalt  }
0x41: {  	_ =	shalt  }
0x42: {  	_ =	shalt  }
0x43: {  	_ =	shalt  }
0x44: {  	_ =	shalt  }
0x45: {  	_ =	shalt  }
0x46: {  	_ =	shalt  }
0x47: {  	_ =	shalt  }
0x48: {  	_ =	shalt  }
0x49: {  	_ =	shalt  }
0x4a: {  	_ =	shalt  }
0x4b: {  	_ =	shalt  }
0x4c: {  	_ =	shalt  }
0x4d: {  	_ =	shalt  }
0x4e: {  	_ =	shalt  }
0x4f: {  	_ =	shalt  }
0x50: {  	_ =	shalt  }
0x51: {  	_ =	shalt  }
0x52: {  	_ =	shalt  }
0x53: {  	_ =	shalt  }
0x54: {  	_ =	shalt  }
0x55: {  	_ =	shalt  }
0x56: {  	_ =	shalt  }
0x57: {  	_ =	shalt  }
0x58: {  	_ =	shalt  }
0x59: {  	_ =	shalt  }
0x5a: {  	_ =	shalt  }
0x5b: {  	_ =	shalt  }
0x5c: {  	_ =	shalt  }
0x5d: {  	_ =	shalt  }
0x5e: {  	_ =	shalt  }
0x5f: {  	_ =	shalt  }
0x60: {  	_ =	shalt  }
0x61: {  	_ =	shalt  }
0x62: {  	_ =	shalt  }
0x63: {  	_ =	shalt  }
0x64: {  	_ =	shalt  }
0x65: {  	_ =	shalt  }
0x66: {  	_ =	shalt  }
0x67: {  	_ =	shalt  }
0x68: {  	_ =	shalt  }
0x69: {  	_ =	shalt  }
0x6a: {  	_ =	shalt  }
0x6b: {  	_ =	shalt  }
0x6c: {  	_ =	shalt  }
0x6d: {  	_ =	shalt  }
0x6e: {  	_ =	shalt  }
0x6f: {  	_ =	shalt  }
0x70: {  	_ =	shalt  }
0x71: {  	_ =	shalt  }
0x72: {  	_ =	shalt  }
0x73: {  	_ =	shalt  }
0x74: {  	_ =	shalt  }
0x75: {  	_ =	shalt  }
0x76: {  	_ =	shalt  }
0x77: {  	_ =	shalt  }
0x78: {  	_ =	shalt  }
0x79: {  	_ =	shalt  }
0x7a: {  	_ =	shalt  }
0x7b: {  	_ =	shalt  }
0x7c: {  	_ =	shalt  }
0x7d: {  	_ =	shalt  }
0x7e: {  	_ =	shalt  }
0x7f: {  	_ =	shalt  }
0x80: {  	_ =	shalt  }
0x81: {  	_ =	shalt  }
0x82: {  	_ =	shalt  }
0x83: {  	_ =	shalt  }
0x84: {  	_ =	shalt  }
0x85: {  	_ =	shalt  }
0x86: {  	_ =	shalt  }
0x87: {  	_ =	shalt  }
.Lfunc_end0:
.L_simem_size_0:
called_computation_lowered:
.L_overlay_start_0:
0x88: {  	s2 =	sld [smem:$0x3FD9]  }
0x89: {  	s3 =	sld [smem:$0x3FFE];
	_ =	sdelay $0x1  }
0x8a: {  	s1 =	srdreg.scid  }
0x8b: {  	s0 =	sand.u32 $0x1, s1  }
0x8c: {  	s17 =	sshll.u32 s0, $0xA;
	s2 =	sadd.s32 s3, s2  }
0x8d: {  	s2 =	sadd.s32 s2, s17  }
0x8e: {  	[smem:$0x3FBF] =	sst s2  }
0x8f: {  	_ = 	snop  }
0x90: {  	s2 =	sld [smem:$0x3FD0];
	(tm) =	ssettm $0x1  }
0x91: {  	s18 =	sld [smem:$0x3FFB];
	_ =	sdelay $0x3  }
0x92: {  	_ =	strace s18  }
0x93: {  	s3 =	sld [smem:$0x3FFC];
	_ =	sdelay $0x3  }
0x94: {  	_ =	strace s3  }
0x95: {  	s3 =	sld [smem:$0x3FFD];
	_ =	sdelay $0x3  }
0x96: {  	_ =	strace s3  }
0x97: {  	_ =	strace $0x8FFFFFFF  }
0x98: {  	s19 =	sld [smem:$0x3FDB];
	_ =	sdelay $0x1  }
0x99: {  	s4 =	simm.s32 $_scs_section_size  }
0x9a: {  	s5 =	simm.s32 $_size__tile_overlayer_lowered;
	s6 =	simm.s32 $_tile_overlayer_lowered  }
0x9b: {  	s22 =	simm.s32 $0x1BFF;
	s21 =	sshll.u32 s6, $0x1;
	s3 =	sadd.s32 s4, s19  }
0x9c: {  	s7 =	simm.s32 $0x0;
	s20 =	sshll.u32 s5, $0x1;
	s5 =	sadd.s32 s21, s3  }
0x9d: {  	[timem:s7], [sflag:s22] =	dma.local [hbm:s5], s20  }
0x9e: {  	_ =	swait.ge [sflag:s22], s20  }
0x9f: {  	s4 =	ssub.s32 $0x0, s20;
	[sflag:s22] =	ssyncset.done $0x0  }
0xa0: {  	[sflag:s22] =	ssyncadd.s32 s4;
	_ =	sdelay $0x1  }
0xa1: {  	s23 =	simm.s32 $0x1B8B  }
0xa2: {  	_ =	swait.ge [sflag:s23], $0x1  }
0xa3: {  	[sflag:s23] =	ssyncset.done $0x0  }
0xa4: {  	s25 =	simm.s32 $0x1B8E;
	s24 =	sld [smem:$0x3FFE];
	[sflag:s23] =	ssyncadd.s32 $0xFFFFFFFF  }
0xa5: {  	s26 =	simm.s32 $execute0_lowered;
	[smem:$0x3FD2] =	sst s25  }
0xa6: {  	s5 =	sshll.u32 s26, $0x1;
	_ =	strace $0x80000046;
	[dreg:$0x1] =	wrdreg $0xFFFFFFFF  }
0xa7: {  	s28 =	simm.s32 $_size_execute0_lowered;
	s3 =	sadd.s32 s3, s5;
	[dreg:$0x0] =	wrdreg $0x0  }
0xa8: {  	s5 =	sshll.u32 s28, $0x1;
	[dreg:$0x2] =	wrdreg s3  }
0xa9: {  	[dreg:$0x3] =	wrdreg s5  }
0xaa: {  	[dreg:$0x4] =	wrdreg $0xC0  }
0xab: {  	_ =	task [dreg:s7], $0x5FFFF  }
0xac: {  	[dreg:$0x1] =	wrdreg $0xFFFFFFFF  }
0xad: {  	[dreg:$0x0] =	wrdreg $0x60  }
0xae: {  	[dreg:$0x2] =	wrdreg s2  }
0xaf: {  	[dreg:$0x3] =	wrdreg s24  }
0xb0: {  	[dreg:$0x4] =	wrdreg $0x9  }
0xb1: {  	_ =	task.clear_ibuf [dreg:s7], $0x5FFFF;
	_ =	strace $0x90000046  }
0xb2: {  	s29 =	simm.s32 $0x9;
	_ =	strace $0x80000048  }
0xb3: {  	_ =	swait.ge [sflag:s29], $0x1  }
0xb4: {  	[sflag:s29] =	ssyncadd.s32 $0xFFFFFFFF  }
0xb5: {  	_ =	strace $0x90000048  }
0xb6: {  	_ =	sfence  }
0xb7: {  	s30 =	sld [smem:$0x0];
	_ =	sdelay $0x2  }
0xb8: {  	s31 =	sshll.u32 s1, $0xD;
	s1 =	sshrl.u32 s1, $0x2  }
0xb9: {  	s3 =	sand.u32 $0x4000, s31;
	s1 =	sadd.s32 s1, s30  }
0xba: {  	s0 =	sor.u32 s3, s0;
	s1 =	sshll.u32 s1, $0x11  }
0xbb: {  	s0 =	sor.u32 s1, s0  }
0xbc: {  	s0 =	sadd.s32 $0x8F2B, s0  }
0xbd: {  	[sflag:s0] =	ssyncadd.remote.s32 $0x1  }
0xbe: {  	_ =	sfence.sel $0xFFFF  }
0xbf: {  	[dreg:$0x0] =	wrdreg $0xFFFFFFFF;
	(pc) =	sbr.abs _section_cstart, $3  }
0xc0: {  	[dreg:$0x1] =	wrdreg $0xFFFFFFFF  }
0xc1: {  	_ =	task.clear_ibuf [dreg:s7], $0x2FFFF;
	_ =	strace $0x9FFFFFFF  }
0xc2: {  	(tm) =	ssettm $0x7FFFFFFF  }
0xc3: {  	_ =	shalt  }
tec
execute0_lowered:
.L_overlay_start_1:
0x0: {  	(tag) =	ssettag $0x1  }
0x1: {  	s3 =	rddreg [dreg:$0x0]  }
0x2: {  	s4 =	rddreg [dreg:$0x1]  }
0x3: {  	s0 =	rddreg [dreg:$0x2]  }
0x4: {  	s5 =	srdreg.scid;
	s1 =	stileid.u32  }
0x5: {  	s2 =	simm.s32 $0x0;
	s5 =	sand.u32 $0x1, s5;
	s6 =	sshll.u32 s1, $0x1  }
0x6: {  	s10 =	simm.s32 $0x0;
	[smem:$0x7FF] =	sst s2;
	s6 =	sor.u32 s5, s6  }
0x7: {  	_ =	strace $0x80000047;
	s5 =	ssub.s32 $0x2, s5;
	s7 =	sshll.u32 s6, $0xA  }
0x8: {  	s6 =	sshll.u32 s6, $0x8;
	s31 =	sshrl.u32 s5, $0x1;
	s8 =	sadd.s32 s7, s4  }
0x9: {  	s6 =	sadd.s32 s6, s4;
	s9 =	ssub.s32 s5, s31;
	s3 =	sadd.s32 s3, s7  }
0xa: {  	s7 =	simm.s32 $0x1;
	s4 =	sadd.s32 $0x1000, s8;
	s5 =	sadd.s32 $0x9000, s6  }
0xb: {  	v0 =	vimm.f32 $0.0e+00;
	s6 =	smax.u32 s9, $0x1;
	s8 =	simm.s32 $0x2080;
	s9 =	simm.s32 $0x4080  }
.LBB2_1:
0xc: {  	[tilespmem:s2], [sflag:$0x1] =	stream.linear.gather [hbm4b:s3+s2], $0x2010, $0x38;
	[tilespmem:$0x4880] =	vst v63  }
0xd: {  	_ =	swait.ge [sflag:s7], $0x2010  }
0xe: {  	[sflag:s7] =	ssyncset.done $0x0  }
0xf: {  	[sflag:s7] =	ssyncadd.s32 $0xFFFFDFF0  }
0x10: {  	[tilespmem:s8], [sflag:$0x1] =	stream.linear.gather [hbm4b:s4+s2], $0x2000, $0x38;
	[tilespmem:$0x4880] =	vst v63  }
0x11: {  	_ =	swait.ge [sflag:s7], $0x2000  }
0x12: {  	[sflag:s7] =	ssyncset.done $0x0  }
0x13: {  	s11 =	simm.s32 $0x0;
	[sflag:s7] =	ssyncadd.s32 $0xFFFFE000  }
.LBB2_2:
0x14: {  	p0 =	sne.s32 s11, $0x1FC0  }
.Ltmp0:
0x15: {  	_ = 	snop;
	(pc) =	sbr.rel @p0 .LBB2_2-.Ltmp0, $3  }
0x16: {  	_ =	sdelay $0x1  }
0x17: {  	s12 =	sshra.s32 s11, $0x2  }
0x18: {  	s11 =	sadd.s32 $0x40, s11;
	[tilespmem:s12+$0x4080] =	vst v0  }
0x19: {  	s12 =	simm.s32 $0x0;
	s11 =	simm.s32 $0x40  }
.LBB2_4:
0x1a: {  	p0 =	sne.s32 s11, $0x7FC0;
	v1 =	vld [tilespmem:s12+$0x0];
	_ =	sdelay $0x2  }
0x1b: {  	v2 =	vld [tilespmem:s12+$0x1]  }
0x1c: {  	v3 =	vld [tilespmem:s12+$0x2080]  }
0x1d: {  	v4 =	vand.u32 $0x7FF, v1  }
.Ltmp1:
0x1e: {  	(pc) =	sbr.rel @p0 .LBB2_4-.Ltmp1, $4  }
0x1f: {  	_ = 	snop  }
0x20: {  	vm0 =	veq.s32 v1, v2  }
0x21: {  	v1 =	vsel vm0, $0x0, v3  }
0x22: {  	s12 =	sshra.s32 s11, $0x2;
	s11 =	sadd.s32 $0x40, s11;
	[tilespmem:v4+s9+$0x0] =	vst.idx.add.f32.msk $0xffff, v1  }
0x23: {  	v1 =	vld [tilespmem:s12+$0x0];
	_ =	sdelay $0x2  }
0x24: {  	v2 =	vld [tilespmem:s12+$0x1]  }
0x25: {  	v3 =	vld [tilespmem:s12+$0x2080]  }
0x26: {  	v4 =	vand.u32 $0x7FF, v1;
	_ =	sdelay $0x2  }
0x27: {  	s10 =	sadd.s32 $0x1, s10;
	vm0 =	veq.s32 v1, v2  }
0x28: {  	p0 =	sne.s32 s10, s6;
	v1 =	vsel vm0, $0x0, v3  }
.Ltmp2:
0x29: {  	[tilespmem:v4+s9+$0x0] =	vst.idx.add.f32.msk $0xffff, v1;
	(pc) =	sbr.rel @p0 .LBB2_1-.Ltmp2, $4  }
0x2a: {  	[hbm4b:s5+s2] =	stream.linear.scatter [tilespmem:s9], [sflag:$0x1], $0x800, $0x38;
	[tilespmem:$0x4880] =	vst v63  }
0x2b: {  	_ =	swait.ge [sflag:s7], $0x800  }
0x2c: {  	[sflag:s7] =	ssyncset.done $0x0  }
0x2d: {  	[sflag:s7] =	ssyncadd.s32 $0xFFFFF800  }
0x2e: {  	_ =	sfence.sel $0x180000  }
0x2f: {  	[bflag:$0x0] =	sbarrier.arrive $0xFFFF  }
0x30: {  	p0 =	sne.s32 s1, $0x0;
	_ =	strace $0x90000047  }
0x31: {  	s0 =	sadd.s32 @!p0 $0x100000, s0;
	[bflag:$0x2] =	sbarrier.arrive $0xFFFF  }
0x32: {  	[sflag:s0] =	ssyncadd.tile.s32 @!p0 $0x1;
	_ =	shalt  }
.Lfunc_end2:
_tile_overlayer_lowered:
.L_overlay_start_2:
0x33: {  	(tag) =	ssettag $0x2  }
0x34: {  	s0 =	rddreg [dreg:$0x0];
	s2 =	stileid.u32  }
0x35: {  	s1 =	rddreg [dreg:$0x1];
	p0 =	sne.s32 s2, $0x0  }
0x36: {  	s3 =	rddreg [dreg:$0x2];
	[bflag:$0x3] =	sbarrier.arrive $0xFFFF;
	s2 =	simm.s32 @!p0 $0x1C01  }
0x37: {  	[timem:s3], [sflag:s2] =	dma.local @!p0 [hbm:s0], s1  }
0x38: {  	s0 =	simm.s32 @!p0 $0x1  }
0x39: {  	_ =	swait.ge @!p0 [sflag:s0], s1  }
0x3a: {  	s1 =	ssub.s32 @!p0 $0x0, s1;
	[sflag:s0] =	ssyncset.done @!p0 $0x0  }
0x3b: {  	[sflag:s0] =	ssyncadd.s32 @!p0 s1  }
0x3c: {  	[bflag:$0x3] =	sbarrier.arrive $0xFFFF  }
0x3d: {  	_ =	shalt  }

</sc_bundles>
